<compile_context>
chip_gen: v7x
topology: tpu7x:2x2x1
jax: 0.10.2.dev20260603
libtpu: 0.0.44.dev20260713+nightly
codegen_flags: <defaults>
</compile_context>

<pallas_src>
import functools

import jax
import jax.numpy as jnp
from jax import lax
from jax.experimental import pallas as pl
from jax.experimental.pallas import tpu as pltpu
from jax.experimental.pallas import tpu_sc as plsc

VOCAB = 1000
D = 1000

NC = 2
NS = 16
NW = NC * NS
L = 16

DC = 200
DCP = 208
NCHUNK = D // DC
NG = DC // 8


def _make_gather(B: int, S: int):
    assert B % (NW * 128) == 0 and B // 128 == NW
    n_units = S * NCHUNK

    mesh = plsc.VectorSubcoreMesh(core_axis_name="c", subcore_axis_name="s")

    @functools.partial(
        pl.kernel,
        mesh=mesh,
        out_type=jax.ShapeDtypeStruct((S, D // 8, NW, 8, 128), jnp.float32),
        scratch_types=[
            pltpu.VMEM((S, 128), jnp.int32),
            pltpu.VMEM((128,), jnp.int32),
            pltpu.VMEM((128,), jnp.int32),
            pltpu.VMEM((128, DCP), jnp.float32),
            pltpu.VMEM((128, DCP), jnp.float32),
            pltpu.VMEM((NG, 8, 128), jnp.float32),
            pltpu.VMEM((NG, 8, 128), jnp.float32),
            pltpu.SemaphoreType.DMA,
            pltpu.SemaphoreType.DMA,
            pltpu.SemaphoreType.DMA,
            pltpu.SemaphoreType.DMA,
        ],
        compiler_params=pltpu.CompilerParams(
            use_tc_tiling_on_sc=False, needs_layout_passes=False),
    )
    def gather(idx_hbm, table_hbm, out_hbm, idxw, ind0, ind1, in0, in1,
               t0, t1, g0, g1, o0, o1):
        w = lax.axis_index("s") * NC + lax.axis_index("c")
        pltpu.sync_copy(idx_hbm.at[w], idxw)

        iota = lax.iota(jnp.int32, L)
        rows = [iota + (br0 * L) for br0 in range(8)]

        def fill_ind(ind_v, i):
            s, c = i // NCHUNK, i % NCHUNK
            for br0 in range(8):
                v = idxw[s, pl.ds(br0 * L, L)]
                ind_v[pl.ds(br0 * L, L)] = v * NCHUNK + c

        def gstart(ind_v, buf, gsem, i):
            fill_ind(ind_v, i)
            pltpu.async_copy(table_hbm.at[ind_v], buf, gsem)

        def gwait(ind_v, buf, gsem):
            pltpu.make_async_copy(table_hbm.at[ind_v], buf, gsem).wait()

        def oview(i):
            s, c = i // NCHUNK, i % NCHUNK
            return out_hbm.at[s, pl.ds(c * NG, NG), w]

        def ostart(tbuf, osem, i):
            pltpu.async_copy(tbuf, oview(i), osem)

        def owait(tbuf, osem, i):
            pltpu.make_async_copy(tbuf, oview(i), osem).wait()

        def transpose(buf, tbuf):
            @functools.partial(plsc.parallel_loop, 0, NG, unroll=2)
            def _p(dg):
                d0 = dg * 8
                for dr in range(8):
                    col = jnp.full((L,), d0 + dr, jnp.int32)
                    for br0 in range(8):
                        vals = plsc.load_gather(buf, [rows[br0], col])
                        tbuf[dg, dr, pl.ds(br0 * L, L)] = vals

        gstart(ind0, in0, g0, 0)

        def body(k, carry):
            i0 = 2 * k
            gstart(ind1, in1, g1, i0 + 1)
            gwait(ind0, in0, g0)

            @pl.when(i0 >= 2)
            def _():
                owait(t0, o0, i0 - 2)

            transpose(in0, t0)
            ostart(t0, o0, i0)
            gwait(ind1, in1, g1)

            @pl.when(i0 + 2 < n_units)
            def _():
                gstart(ind0, in0, g0, i0 + 2)

            @pl.when(i0 >= 1)
            def _():
                owait(t1, o1, i0 - 1)

            transpose(in1, t1)
            ostart(t1, o1, i0 + 1)
            return carry

        lax.fori_loop(0, n_units // 2, body, 0)
        owait(t0, o0, n_units - 2)
        owait(t1, o1, n_units - 1)

    return gather


def kernel(idx, token_table):
    b, s = idx.shape
    idx3 = jnp.transpose(idx.astype(jnp.int32).reshape(NW, 128, s), (0, 2, 1))
    table_p = jnp.pad(token_table.reshape(VOCAB * NCHUNK, DC),
                      ((0, 0), (0, DCP - DC)))
    out5 = _make_gather(b, s)(idx3, table_p)
    return jnp.transpose(out5, (2, 4, 0, 1, 3)).reshape(b, s, D)

# --- scband reference (transcript-rebuilt; emitter-appended) ---
"""Pipeline reference for scband-bigram-model-64587718197615 (READ-ONLY COPY).

The authoritative reference and input builder live on the scoring server;
editing this copy changes nothing except your own understanding.
"""

import jax, jax.numpy as jnp
import numpy as np

VOCAB = 1000
BATCH = 4096
SEQ = 50

def setup_inputs(seed: int = 0) -> dict:
    key = jax.random.key(seed)
    k_idx, k_tab = jax.random.split(key)
    idx = jax.random.randint(k_idx, (BATCH, SEQ), 0, VOCAB, dtype=jnp.int64 if jax.config.jax_enable_x64 else jnp.int32)
    token_table = jax.random.normal(k_tab, (VOCAB, VOCAB), dtype=jnp.float32)
    return {"idx": idx, "token_table": token_table}

def reference(idx, token_table):
    # BigramModel: logits = self.token_table(idx) -> embedding lookup
    logits = jnp.take(token_table, idx, axis=0)
    return logits

if __name__ == "__main__":
    import jax
    _d = setup_inputs()
    print(jax.jit(kernel)(*tuple(_d.values())))

</pallas_src>

<mosaic_0001>
#map = affine_map<(d0, d1) -> (0, 0, 0)>
#map1 = affine_map<(d0, d1) -> (0, 0)>
#map2 = affine_map<(d0, d1) -> (0, 0, 0, 0, 0)>
module attributes {stable_mosaic.version = 14 : i64} {
  func.func @gather(%arg0: i32, %arg1: i32, %arg2: memref<32x50x128xi32, #tpu.memory_space<hbm>>, %arg3: memref<5000x208xf32, #tpu.memory_space<hbm>>, %arg4: memref<50x125x32x8x128xf32, #tpu.memory_space<hbm>>, %arg5: memref<50x128xi32, #tpu.memory_space<vmem>>, %arg6: memref<128xi32, #tpu.memory_space<vmem>>, %arg7: memref<128xi32, #tpu.memory_space<vmem>>, %arg8: memref<128x208xf32, #tpu.memory_space<vmem>>, %arg9: memref<128x208xf32, #tpu.memory_space<vmem>>, %arg10: memref<25x8x128xf32, #tpu.memory_space<vmem>>, %arg11: memref<25x8x128xf32, #tpu.memory_space<vmem>>, %arg12: memref<!tpu.dma_semaphore, #tpu.memory_space<semaphore_mem>>, %arg13: memref<!tpu.dma_semaphore, #tpu.memory_space<semaphore_mem>>, %arg14: memref<!tpu.dma_semaphore, #tpu.memory_space<semaphore_mem>>, %arg15: memref<!tpu.dma_semaphore, #tpu.memory_space<semaphore_mem>>) attributes {dimension_semantics = [#tpu.dimension_semantics<core_parallel>, #tpu.dimension_semantics<subcore_parallel>], iteration_bounds = array<i64: 2, 16>, scalar_prefetch = 0 : i64, scratch_operands = 11 : i64, tpu.core_type = #tpu.core_type<sc_vector_subcore>, window_params = [{transform_indices = #map}, {transform_indices = #map1}, {transform_indices = #map2}]} {
    %mul3A = arith.constant 2 : i32
    %mul3A_0 = arith.muli %arg1, %mul3A : i32
    %add3A = arith.addi %mul3A_0, %arg0 : i32
    "tpu.region"() ({
      %run_scoped3A = tpu.sem_alloc : memref<!tpu.dma_semaphore, #tpu.memory_space<semaphore_mem>>
      %dma_start3A_147 = arith.constant 0 : i32
      %dma_start3A_148 = arith.constant 0 : i32
      %dma_start3A_149 = tpu.memref_slice %arg2[%add3A, %dma_start3A_147, %dma_start3A_148] : memref<32x50x128xi32, #tpu.memory_space<hbm>> -> memref<1x50x128xi32, #tpu.memory_space<hbm>>
      %dma_start3A_150 = tpu.memref_squeeze %dma_start3A_149 : memref<1x50x128xi32, #tpu.memory_space<hbm>> -> memref<50x128xi32, #tpu.memory_space<hbm>>
      %dma_start3A_151 = arith.constant 0 : i32
      %dma_start3A_152 = arith.constant 0 : i32
      %dma_start3A_153 = tpu.memref_slice %arg2[%add3A, %dma_start3A_151, %dma_start3A_152] : memref<32x50x128xi32, #tpu.memory_space<hbm>> -> memref<1x50x128xi32, #tpu.memory_space<hbm>>
      %dma_start3A_154 = tpu.memref_squeeze %dma_start3A_153 : memref<1x50x128xi32, #tpu.memory_space<hbm>> -> memref<50x128xi32, #tpu.memory_space<hbm>>
      tpu.enqueue_dma source(%dma_start3A_154 : memref<50x128xi32, #tpu.memory_space<hbm>>) target(%arg5 : memref<50x128xi32, #tpu.memory_space<vmem>>) target_semaphore(%run_scoped3A : memref<!tpu.dma_semaphore, #tpu.memory_space<semaphore_mem>>)
      %dma_wait3A_155 = arith.constant 0 : i32
      %dma_wait3A_156 = arith.constant 0 : i32
      %dma_wait3A_157 = tpu.memref_slice %arg2[%add3A, %dma_wait3A_155, %dma_wait3A_156] : memref<32x50x128xi32, #tpu.memory_space<hbm>> -> memref<1x50x128xi32, #tpu.memory_space<hbm>>
      %dma_wait3A_158 = tpu.memref_squeeze %dma_wait3A_157 : memref<1x50x128xi32, #tpu.memory_space<hbm>> -> memref<50x128xi32, #tpu.memory_space<hbm>>
      %dma_wait3A_159 = arith.constant 0 : i32
      %dma_wait3A_160 = arith.constant 0 : i32
      %dma_wait3A_161 = tpu.memref_slice %arg2[%add3A, %dma_wait3A_159, %dma_wait3A_160] : memref<32x50x128xi32, #tpu.memory_space<hbm>> -> memref<1x50x128xi32, #tpu.memory_space<hbm>>
      %dma_wait3A_162 = tpu.memref_squeeze %dma_wait3A_161 : memref<1x50x128xi32, #tpu.memory_space<hbm>> -> memref<50x128xi32, #tpu.memory_space<hbm>>
      tpu.wait_dma2 semaphore(%run_scoped3A : memref<!tpu.dma_semaphore, #tpu.memory_space<semaphore_mem>>) src(%dma_wait3A_162 : memref<50x128xi32, #tpu.memory_space<hbm>>) dst(%arg5 : memref<50x128xi32, #tpu.memory_space<vmem>>)
      tpu.yield
    }) : () -> ()
    %iota3A = tpu.iota {dimensions = array<i32: 0>} : vector<16xi32>
    %add3A_1 = arith.constant 0 : i32
    %add3A_2 = vector.broadcast %add3A_1 : i32 to vector<16xi32>
    %add3A_3 = arith.addi %iota3A, %add3A_2 : vector<16xi32>
    %add3A_4 = arith.constant 16 : i32
    %add3A_5 = vector.broadcast %add3A_4 : i32 to vector<16xi32>
    %add3A_6 = arith.addi %iota3A, %add3A_5 : vector<16xi32>
    %add3A_7 = arith.constant 32 : i32
    %add3A_8 = vector.broadcast %add3A_7 : i32 to vector<16xi32>
    %add3A_9 = arith.addi %iota3A, %add3A_8 : vector<16xi32>
    %add3A_10 = arith.constant 48 : i32
    %add3A_11 = vector.broadcast %add3A_10 : i32 to vector<16xi32>
    %add3A_12 = arith.addi %iota3A, %add3A_11 : vector<16xi32>
    %add3A_13 = arith.constant 64 : i32
    %add3A_14 = vector.broadcast %add3A_13 : i32 to vector<16xi32>
    %add3A_15 = arith.addi %iota3A, %add3A_14 : vector<16xi32>
    %add3A_16 = arith.constant 80 : i32
    %add3A_17 = vector.broadcast %add3A_16 : i32 to vector<16xi32>
    %add3A_18 = arith.addi %iota3A, %add3A_17 : vector<16xi32>
    %add3A_19 = arith.constant 96 : i32
    %add3A_20 = vector.broadcast %add3A_19 : i32 to vector<16xi32>
    %add3A_21 = arith.addi %iota3A, %add3A_20 : vector<16xi32>
    %add3A_22 = arith.constant 112 : i32
    %add3A_23 = vector.broadcast %add3A_22 : i32 to vector<16xi32>
    %add3A_24 = arith.addi %iota3A, %add3A_23 : vector<16xi32>
    %get3A = arith.constant 0 : i32
    %get3A_25 = arith.index_cast %get3A : i32 to index
    %get3A_26 = arith.constant 0 : index
    %get3A_27 = tpu.vector_load %arg5[%get3A_25, %get3A_26] {strides = array<i32>} : memref<50x128xi32, #tpu.memory_space<vmem>>, vector<16xi32>,
    %mul3A_28 = arith.constant 5 : i32
    %mul3A_29 = vector.broadcast %mul3A_28 : i32 to vector<16xi32>
    %mul3A_30 = arith.muli %get3A_27, %mul3A_29 : vector<16xi32>
    %add3A_31 = arith.constant 0 : i32
    %add3A_32 = vector.broadcast %add3A_31 : i32 to vector<16xi32>
    %add3A_33 = arith.addi %mul3A_30, %add3A_32 : vector<16xi32>
    %swap3A = arith.constant 0 : index
    %swap3A_34 = tpu.vector_load %arg6[%swap3A] {strides = array<i32>} : memref<128xi32, #tpu.memory_space<vmem>>, vector<16xi32>,
    tpu.vector_store %arg6[%swap3A], %add3A_33 {strides = array<i32>} : memref<128xi32, #tpu.memory_space<vmem>>, vector<16xi32>,
    %get3A_35 = arith.constant 0 : i32
    %get3A_36 = arith.index_cast %get3A_35 : i32 to index
    %get3A_37 = arith.constant 16 : index
    %get3A_38 = tpu.vector_load %arg5[%get3A_36, %get3A_37] {strides = array<i32>} : memref<50x128xi32, #tpu.memory_space<vmem>>, vector<16xi32>,
    %mul3A_39 = arith.constant 5 : i32
    %mul3A_40 = vector.broadcast %mul3A_39 : i32 to vector<16xi32>
    %mul3A_41 = arith.muli %get3A_38, %mul3A_40 : vector<16xi32>
    %add3A_42 = arith.constant 0 : i32
    %add3A_43 = vector.broadcast %add3A_42 : i32 to vector<16xi32>
    %add3A_44 = arith.addi %mul3A_41, %add3A_43 : vector<16xi32>
    %swap3A_45 = arith.constant 16 : index
    %swap3A_46 = tpu.vector_load %arg6[%swap3A_45] {strides = array<i32>} : memref<128xi32, #tpu.memory_space<vmem>>, vector<16xi32>,
    tpu.vector_store %arg6[%swap3A_45], %add3A_44 {strides = array<i32>} : memref<128xi32, #tpu.memory_space<vmem>>, vector<16xi32>,
    %get3A_47 = arith.constant 0 : i32
    %get3A_48 = arith.index_cast %get3A_47 : i32 to index
    %get3A_49 = arith.constant 32 : index
    %get3A_50 = tpu.vector_load %arg5[%get3A_48, %get3A_49] {strides = array<i32>} : memref<50x128xi32, #tpu.memory_space<vmem>>, vector<16xi32>,
    %mul3A_51 = arith.constant 5 : i32
    %mul3A_52 = vector.broadcast %mul3A_51 : i32 to vector<16xi32>
    %mul3A_53 = arith.muli %get3A_50, %mul3A_52 : vector<16xi32>
    %add3A_54 = arith.constant 0 : i32
    %add3A_55 = vector.broadcast %add3A_54 : i32 to vector<16xi32>
    %add3A_56 = arith.addi %mul3A_53, %add3A_55 : vector<16xi32>
    %swap3A_57 = arith.constant 32 : index
    %swap3A_58 = tpu.vector_load %arg6[%swap3A_57] {strides = array<i32>} : memref<128xi32, #tpu.memory_space<vmem>>, vector<16xi32>,
    tpu.vector_store %arg6[%swap3A_57], %add3A_56 {strides = array<i32>} : memref<128xi32, #tpu.memory_space<vmem>>, vector<16xi32>,
    %get3A_59 = arith.constant 0 : i32
    %get3A_60 = arith.index_cast %get3A_59 : i32 to index
    %get3A_61 = arith.constant 48 : index
    %get3A_62 = tpu.vector_load %arg5[%get3A_60, %get3A_61] {strides = array<i32>} : memref<50x128xi32, #tpu.memory_space<vmem>>, vector<16xi32>,
    %mul3A_63 = arith.constant 5 : i32
    %mul3A_64 = vector.broadcast %mul3A_63 : i32 to vector<16xi32>
    %mul3A_65 = arith.muli %get3A_62, %mul3A_64 : vector<16xi32>
    %add3A_66 = arith.constant 0 : i32
    %add3A_67 = vector.broadcast %add3A_66 : i32 to vector<16xi32>
    %add3A_68 = arith.addi %mul3A_65, %add3A_67 : vector<16xi32>
    %swap3A_69 = arith.constant 48 : index
    %swap3A_70 = tpu.vector_load %arg6[%swap3A_69] {strides = array<i32>} : memref<128xi32, #tpu.memory_space<vmem>>, vector<16xi32>,
    tpu.vector_store %arg6[%swap3A_69], %add3A_68 {strides = array<i32>} : memref<128xi32, #tpu.memory_space<vmem>>, vector<16xi32>,
    %get3A_71 = arith.constant 0 : i32
    %get3A_72 = arith.index_cast %get3A_71 : i32 to index
    %get3A_73 = arith.constant 64 : index
    %get3A_74 = tpu.vector_load %arg5[%get3A_72, %get3A_73] {strides = array<i32>} : memref<50x128xi32, #tpu.memory_space<vmem>>, vector<16xi32>,
    %mul3A_75 = arith.constant 5 : i32
    %mul3A_76 = vector.broadcast %mul3A_75 : i32 to vector<16xi32>
    %mul3A_77 = arith.muli %get3A_74, %mul3A_76 : vector<16xi32>
    %add3A_78 = arith.constant 0 : i32
    %add3A_79 = vector.broadcast %add3A_78 : i32 to vector<16xi32>
    %add3A_80 = arith.addi %mul3A_77, %add3A_79 : vector<16xi32>
    %swap3A_81 = arith.constant 64 : index
    %swap3A_82 = tpu.vector_load %arg6[%swap3A_81] {strides = array<i32>} : memref<128xi32, #tpu.memory_space<vmem>>, vector<16xi32>,
    tpu.vector_store %arg6[%swap3A_81], %add3A_80 {strides = array<i32>} : memref<128xi32, #tpu.memory_space<vmem>>, vector<16xi32>,
    %get3A_83 = arith.constant 0 : i32
    %get3A_84 = arith.index_cast %get3A_83 : i32 to index
    %get3A_85 = arith.constant 80 : index
    %get3A_86 = tpu.vector_load %arg5[%get3A_84, %get3A_85] {strides = array<i32>} : memref<50x128xi32, #tpu.memory_space<vmem>>, vector<16xi32>,
    %mul3A_87 = arith.constant 5 : i32
    %mul3A_88 = vector.broadcast %mul3A_87 : i32 to vector<16xi32>
    %mul3A_89 = arith.muli %get3A_86, %mul3A_88 : vector<16xi32>
    %add3A_90 = arith.constant 0 : i32
    %add3A_91 = vector.broadcast %add3A_90 : i32 to vector<16xi32>
    %add3A_92 = arith.addi %mul3A_89, %add3A_91 : vector<16xi32>
    %swap3A_93 = arith.constant 80 : index
    %swap3A_94 = tpu.vector_load %arg6[%swap3A_93] {strides = array<i32>} : memref<128xi32, #tpu.memory_space<vmem>>, vector<16xi32>,
    tpu.vector_store %arg6[%swap3A_93], %add3A_92 {strides = array<i32>} : memref<128xi32, #tpu.memory_space<vmem>>, vector<16xi32>,
    %get3A_95 = arith.constant 0 : i32
    %get3A_96 = arith.index_cast %get3A_95 : i32 to index
    %get3A_97 = arith.constant 96 : index
    %get3A_98 = tpu.vector_load %arg5[%get3A_96, %get3A_97] {strides = array<i32>} : memref<50x128xi32, #tpu.memory_space<vmem>>, vector<16xi32>,
    %mul3A_99 = arith.constant 5 : i32
    %mul3A_100 = vector.broadcast %mul3A_99 : i32 to vector<16xi32>
    %mul3A_101 = arith.muli %get3A_98, %mul3A_100 : vector<16xi32>
    %add3A_102 = arith.constant 0 : i32
    %add3A_103 = vector.broadcast %add3A_102 : i32 to vector<16xi32>
    %add3A_104 = arith.addi %mul3A_101, %add3A_103 : vector<16xi32>
    %swap3A_105 = arith.constant 96 : index
    %swap3A_106 = tpu.vector_load %arg6[%swap3A_105] {strides = array<i32>} : memref<128xi32, #tpu.memory_space<vmem>>, vector<16xi32>,
    tpu.vector_store %arg6[%swap3A_105], %add3A_104 {strides = array<i32>} : memref<128xi32, #tpu.memory_space<vmem>>, vector<16xi32>,
    %get3A_107 = arith.constant 0 : i32
    %get3A_108 = arith.index_cast %get3A_107 : i32 to index
    %get3A_109 = arith.constant 112 : index
    %get3A_110 = tpu.vector_load %arg5[%get3A_108, %get3A_109] {strides = array<i32>} : memref<50x128xi32, #tpu.memory_space<vmem>>, vector<16xi32>,
    %mul3A_111 = arith.constant 5 : i32
    %mul3A_112 = vector.broadcast %mul3A_111 : i32 to vector<16xi32>
    %mul3A_113 = arith.muli %get3A_110, %mul3A_112 : vector<16xi32>
    %add3A_114 = arith.constant 0 : i32
    %add3A_115 = vector.broadcast %add3A_114 : i32 to vector<16xi32>
    %add3A_116 = arith.addi %mul3A_113, %add3A_115 : vector<16xi32>
    %swap3A_117 = arith.constant 112 : index
    %swap3A_118 = tpu.vector_load %arg6[%swap3A_117] {strides = array<i32>} : memref<128xi32, #tpu.memory_space<vmem>>, vector<16xi32>,
    tpu.vector_store %arg6[%swap3A_117], %add3A_116 {strides = array<i32>} : memref<128xi32, #tpu.memory_space<vmem>>, vector<16xi32>,
    %dma_start3A = arith.constant 0 : i32
    %dma_start3A_119 = arith.constant 0 : i32
    %dma_start3A_120 = tpu.memref_slice %arg3[%dma_start3A, %dma_start3A_119] : memref<5000x208xf32, #tpu.memory_space<hbm>> -> memref<5000x208xf32, #tpu.memory_space<hbm>>
    tpu.enqueue_indirect_dma source(%dma_start3A_120 : memref<5000x208xf32, #tpu.memory_space<hbm>>) target(%arg8 : memref<128x208xf32, #tpu.memory_space<vmem>>) offsets(%arg6 : memref<128xi32, #tpu.memory_space<vmem>>) semaphore(%arg12 : memref<!tpu.dma_semaphore, #tpu.memory_space<semaphore_mem>>)
    %scan3A = arith.constant 0 : i32
    %scan3A_121 = arith.constant 0 : i32
    %scan3A_122 = arith.constant 125 : i32
    %scan3A_123 = arith.addi %scan3A_121, %scan3A_122 : i32
    %scan3A_124 = arith.constant 1 : i32
    scf.for %scan3A_147 = %scan3A_121 to %scan3A_123 step %scan3A_124  : i32 {
      %mul3A_148 = arith.constant 2 : i32
      %mul3A_149 = arith.muli %mul3A_148, %scan3A_147 : i32
      %add3A_150 = arith.constant 1 : i32
      %add3A_151 = arith.addi %mul3A_149, %add3A_150 : i32
      %jit3A = arith.constant 5 : i32
      %div3A = arith.divsi %add3A_151, %jit3A : i32
      %sign3A = arith.constant 0 : i32
      %sign3A_152 = arith.cmpi sgt, %add3A_151, %sign3A : i32
      %sign3A_153 = arith.extui %sign3A_152 : i1 to i32
      %sign3A_154 = arith.constant 0 : i32
      %sign3A_155 = arith.cmpi slt, %add3A_151, %sign3A_154 : i32
      %sign3A_156 = arith.extui %sign3A_155 : i1 to i32
      %sign3A_157 = arith.subi %sign3A_153, %sign3A_156 : i32
      %sign3A_158 = arith.constant 0 : i32
      %sign3A_159 = arith.cmpi sgt, %jit3A, %sign3A_158 : i32
      %sign3A_160 = arith.extui %sign3A_159 : i1 to i32
      %sign3A_161 = arith.constant 0 : i32
      %sign3A_162 = arith.cmpi slt, %jit3A, %sign3A_161 : i32
      %sign3A_163 = arith.extui %sign3A_162 : i1 to i32
      %sign3A_164 = arith.subi %sign3A_160, %sign3A_163 : i32
      %ne3A = arith.cmpi ne, %sign3A_157, %sign3A_164 : i32
      %rem3A = arith.remsi %add3A_151, %jit3A : i32
      %ne3A_165 = arith.constant 0 : i32
      %ne3A_166 = arith.cmpi ne, %rem3A, %ne3A_165 : i32
      %and3A = arith.andi %ne3A, %ne3A_166 : i1
      %sub3A = arith.constant 1 : i32
      %sub3A_167 = arith.subi %div3A, %sub3A : i32
      %select_n3A = arith.select %and3A, %sub3A_167, %div3A : i32
      %jit3A_168 = arith.constant 5 : i32
      %eq3A = arith.constant 0 : i32
      %eq3A_169 = arith.cmpi eq, %jit3A_168, %eq3A : i32
      %jit3A_170 = arith.constant 1 : i32
      %select_n3A_171 = arith.select %eq3A_169, %jit3A_170, %jit3A_168 : i32
      %rem3A_172 = arith.remsi %add3A_151, %select_n3A_171 : i32
      %ne3A_173 = arith.constant 0 : i32
      %ne3A_174 = arith.cmpi ne, %rem3A_172, %ne3A_173 : i32
      %lt3A = arith.constant 0 : i32
      %lt3A_175 = arith.cmpi slt, %rem3A_172, %lt3A : i32
      %lt3A_176 = arith.constant 0 : i32
      %lt3A_177 = arith.cmpi slt, %select_n3A_171, %lt3A_176 : i32
      %ne3A_178 = arith.xori %lt3A_175, %lt3A_177 : i1
      %and3A_179 = arith.andi %ne3A_178, %ne3A_174 : i1
      %add3A_180 = arith.addi %rem3A_172, %select_n3A_171 : i32
      %select_n3A_181 = arith.select %and3A_179, %add3A_180, %rem3A_172 : i32
      %get3A_182 = arith.index_cast %select_n3A : i32 to index
      %get3A_183 = arith.constant 0 : index
      %get3A_184 = tpu.vector_load %arg5[%get3A_182, %get3A_183] {strides = array<i32>} : memref<50x128xi32, #tpu.memory_space<vmem>>, vector<16xi32>,
      %mul3A_185 = arith.constant 5 : i32
      %mul3A_186 = vector.broadcast %mul3A_185 : i32 to vector<16xi32>
      %mul3A_187 = arith.muli %get3A_184, %mul3A_186 : vector<16xi32>
      %add3A_188 = vector.broadcast %select_n3A_181 : i32 to vector<16xi32>
      %add3A_189 = arith.addi %mul3A_187, %add3A_188 : vector<16xi32>
      %swap3A_190 = arith.constant 0 : index
      %swap3A_191 = tpu.vector_load %arg7[%swap3A_190] {strides = array<i32>} : memref<128xi32, #tpu.memory_space<vmem>>, vector<16xi32>,
      tpu.vector_store %arg7[%swap3A_190], %add3A_189 {strides = array<i32>} : memref<128xi32, #tpu.memory_space<vmem>>, vector<16xi32>,
      %get3A_192 = arith.index_cast %select_n3A : i32 to index
      %get3A_193 = arith.constant 16 : index
      %get3A_194 = tpu.vector_load %arg5[%get3A_192, %get3A_193] {strides = array<i32>} : memref<50x128xi32, #tpu.memory_space<vmem>>, vector<16xi32>,
      %mul3A_195 = arith.constant 5 : i32
      %mul3A_196 = vector.broadcast %mul3A_195 : i32 to vector<16xi32>
      %mul3A_197 = arith.muli %get3A_194, %mul3A_196 : vector<16xi32>
      %add3A_198 = vector.broadcast %select_n3A_181 : i32 to vector<16xi32>
      %add3A_199 = arith.addi %mul3A_197, %add3A_198 : vector<16xi32>
      %swap3A_200 = arith.constant 16 : index
      %swap3A_201 = tpu.vector_load %arg7[%swap3A_200] {strides = array<i32>} : memref<128xi32, #tpu.memory_space<vmem>>, vector<16xi32>,
      tpu.vector_store %arg7[%swap3A_200], %add3A_199 {strides = array<i32>} : memref<128xi32, #tpu.memory_space<vmem>>, vector<16xi32>,
      %get3A_202 = arith.index_cast %select_n3A : i32 to index
      %get3A_203 = arith.constant 32 : index
      %get3A_204 = tpu.vector_load %arg5[%get3A_202, %get3A_203] {strides = array<i32>} : memref<50x128xi32, #tpu.memory_space<vmem>>, vector<16xi32>,
      %mul3A_205 = arith.constant 5 : i32
      %mul3A_206 = vector.broadcast %mul3A_205 : i32 to vector<16xi32>
      %mul3A_207 = arith.muli %get3A_204, %mul3A_206 : vector<16xi32>
      %add3A_208 = vector.broadcast %select_n3A_181 : i32 to vector<16xi32>
      %add3A_209 = arith.addi %mul3A_207, %add3A_208 : vector<16xi32>
      %swap3A_210 = arith.constant 32 : index
      %swap3A_211 = tpu.vector_load %arg7[%swap3A_210] {strides = array<i32>} : memref<128xi32, #tpu.memory_space<vmem>>, vector<16xi32>,
      tpu.vector_store %arg7[%swap3A_210], %add3A_209 {strides = array<i32>} : memref<128xi32, #tpu.memory_space<vmem>>, vector<16xi32>,
      %get3A_212 = arith.index_cast %select_n3A : i32 to index
      %get3A_213 = arith.constant 48 : index
      %get3A_214 = tpu.vector_load %arg5[%get3A_212, %get3A_213] {strides = array<i32>} : memref<50x128xi32, #tpu.memory_space<vmem>>, vector<16xi32>,
      %mul3A_215 = arith.constant 5 : i32
      %mul3A_216 = vector.broadcast %mul3A_215 : i32 to vector<16xi32>
      %mul3A_217 = arith.muli %get3A_214, %mul3A_216 : vector<16xi32>
      %add3A_218 = vector.broadcast %select_n3A_181 : i32 to vector<16xi32>
      %add3A_219 = arith.addi %mul3A_217, %add3A_218 : vector<16xi32>
      %swap3A_220 = arith.constant 48 : index
      %swap3A_221 = tpu.vector_load %arg7[%swap3A_220] {strides = array<i32>} : memref<128xi32, #tpu.memory_space<vmem>>, vector<16xi32>,
      tpu.vector_store %arg7[%swap3A_220], %add3A_219 {strides = array<i32>} : memref<128xi32, #tpu.memory_space<vmem>>, vector<16xi32>,
      %get3A_222 = arith.index_cast %select_n3A : i32 to index
      %get3A_223 = arith.constant 64 : index
      %get3A_224 = tpu.vector_load %arg5[%get3A_222, %get3A_223] {strides = array<i32>} : memref<50x128xi32, #tpu.memory_space<vmem>>, vector<16xi32>,
      %mul3A_225 = arith.constant 5 : i32
      %mul3A_226 = vector.broadcast %mul3A_225 : i32 to vector<16xi32>
      %mul3A_227 = arith.muli %get3A_224, %mul3A_226 : vector<16xi32>
      %add3A_228 = vector.broadcast %select_n3A_181 : i32 to vector<16xi32>
      %add3A_229 = arith.addi %mul3A_227, %add3A_228 : vector<16xi32>
      %swap3A_230 = arith.constant 64 : index
      %swap3A_231 = tpu.vector_load %arg7[%swap3A_230] {strides = array<i32>} : memref<128xi32, #tpu.memory_space<vmem>>, vector<16xi32>,
      tpu.vector_store %arg7[%swap3A_230], %add3A_229 {strides = array<i32>} : memref<128xi32, #tpu.memory_space<vmem>>, vector<16xi32>,
      %get3A_232 = arith.index_cast %select_n3A : i32 to index
      %get3A_233 = arith.constant 80 : index
      %get3A_234 = tpu.vector_load %arg5[%get3A_232, %get3A_233] {strides = array<i32>} : memref<50x128xi32, #tpu.memory_space<vmem>>, vector<16xi32>,
      %mul3A_235 = arith.constant 5 : i32
      %mul3A_236 = vector.broadcast %mul3A_235 : i32 to vector<16xi32>
      %mul3A_237 = arith.muli %get3A_234, %mul3A_236 : vector<16xi32>
      %add3A_238 = vector.broadcast %select_n3A_181 : i32 to vector<16xi32>
      %add3A_239 = arith.addi %mul3A_237, %add3A_238 : vector<16xi32>
      %swap3A_240 = arith.constant 80 : index
      %swap3A_241 = tpu.vector_load %arg7[%swap3A_240] {strides = array<i32>} : memref<128xi32, #tpu.memory_space<vmem>>, vector<16xi32>,
      tpu.vector_store %arg7[%swap3A_240], %add3A_239 {strides = array<i32>} : memref<128xi32, #tpu.memory_space<vmem>>, vector<16xi32>,
      %get3A_242 = arith.index_cast %select_n3A : i32 to index
      %get3A_243 = arith.constant 96 : index
      %get3A_244 = tpu.vector_load %arg5[%get3A_242, %get3A_243] {strides = array<i32>} : memref<50x128xi32, #tpu.memory_space<vmem>>, vector<16xi32>,
      %mul3A_245 = arith.constant 5 : i32
      %mul3A_246 = vector.broadcast %mul3A_245 : i32 to vector<16xi32>
      %mul3A_247 = arith.muli %get3A_244, %mul3A_246 : vector<16xi32>
      %add3A_248 = vector.broadcast %select_n3A_181 : i32 to vector<16xi32>
      %add3A_249 = arith.addi %mul3A_247, %add3A_248 : vector<16xi32>
      %swap3A_250 = arith.constant 96 : index
      %swap3A_251 = tpu.vector_load %arg7[%swap3A_250] {strides = array<i32>} : memref<128xi32, #tpu.memory_space<vmem>>, vector<16xi32>,
      tpu.vector_store %arg7[%swap3A_250], %add3A_249 {strides = array<i32>} : memref<128xi32, #tpu.memory_space<vmem>>, vector<16xi32>,
      %get3A_252 = arith.index_cast %select_n3A : i32 to index
      %get3A_253 = arith.constant 112 : index
      %get3A_254 = tpu.vector_load %arg5[%get3A_252, %get3A_253] {strides = array<i32>} : memref<50x128xi32, #tpu.memory_space<vmem>>, vector<16xi32>,
      %mul3A_255 = arith.constant 5 : i32
      %mul3A_256 = vector.broadcast %mul3A_255 : i32 to vector<16xi32>
      %mul3A_257 = arith.muli %get3A_254, %mul3A_256 : vector<16xi32>
      %add3A_258 = vector.broadcast %select_n3A_181 : i32 to vector<16xi32>
      %add3A_259 = arith.addi %mul3A_257, %add3A_258 : vector<16xi32>
      %swap3A_260 = arith.constant 112 : index
      %swap3A_261 = tpu.vector_load %arg7[%swap3A_260] {strides = array<i32>} : memref<128xi32, #tpu.memory_space<vmem>>, vector<16xi32>,
      tpu.vector_store %arg7[%swap3A_260], %add3A_259 {strides = array<i32>} : memref<128xi32, #tpu.memory_space<vmem>>, vector<16xi32>,
      %dma_start3A_262 = arith.constant 0 : i32
      %dma_start3A_263 = arith.constant 0 : i32
      %dma_start3A_264 = tpu.memref_slice %arg3[%dma_start3A_262, %dma_start3A_263] : memref<5000x208xf32, #tpu.memory_space<hbm>> -> memref<5000x208xf32, #tpu.memory_space<hbm>>
      tpu.enqueue_indirect_dma source(%dma_start3A_264 : memref<5000x208xf32, #tpu.memory_space<hbm>>) target(%arg9 : memref<128x208xf32, #tpu.memory_space<vmem>>) offsets(%arg7 : memref<128xi32, #tpu.memory_space<vmem>>) semaphore(%arg13 : memref<!tpu.dma_semaphore, #tpu.memory_space<semaphore_mem>>)
      %dma_wait3A_265 = arith.constant 0 : i32
      %dma_wait3A_266 = arith.constant 0 : i32
      %dma_wait3A_267 = tpu.memref_slice %arg3[%dma_wait3A_265, %dma_wait3A_266] : memref<5000x208xf32, #tpu.memory_space<hbm>> -> memref<5000x208xf32, #tpu.memory_space<hbm>>
      tpu.wait_indirect_dma semaphore(%arg12 : memref<!tpu.dma_semaphore, #tpu.memory_space<semaphore_mem>>) src(%dma_wait3A_267 : memref<5000x208xf32, #tpu.memory_space<hbm>>) dst(%arg8 : memref<128x208xf32, #tpu.memory_space<vmem>>)
      %ge3A = arith.constant 2 : i32
      %ge3A_268 = arith.cmpi sge, %mul3A_149, %ge3A : i32
      %convert_element_type3A = arith.extui %ge3A_268 : i1 to i32
      %cond3A = arith.constant 0 : i32
      %cond3A_269 = arith.cmpi ne, %convert_element_type3A, %cond3A : i32
      scf.if %cond3A_269 {
        %sub3A_387 = arith.constant 2 : i32
        %sub3A_388 = arith.subi %mul3A_149, %sub3A_387 : i32
        %jit3A_389 = arith.constant 5 : i32
        %div3A_390 = arith.divsi %sub3A_388, %jit3A_389 : i32
        %sign3A_391 = arith.constant 0 : i32
        %sign3A_392 = arith.cmpi sgt, %sub3A_388, %sign3A_391 : i32
        %sign3A_393 = arith.extui %sign3A_392 : i1 to i32
        %sign3A_394 = arith.constant 0 : i32
        %sign3A_395 = arith.cmpi slt, %sub3A_388, %sign3A_394 : i32
        %sign3A_396 = arith.extui %sign3A_395 : i1 to i32
        %sign3A_397 = arith.subi %sign3A_393, %sign3A_396 : i32
        %sign3A_398 = arith.constant 0 : i32
        %sign3A_399 = arith.cmpi sgt, %jit3A_389, %sign3A_398 : i32
        %sign3A_400 = arith.extui %sign3A_399 : i1 to i32
        %sign3A_401 = arith.constant 0 : i32
        %sign3A_402 = arith.cmpi slt, %jit3A_389, %sign3A_401 : i32
        %sign3A_403 = arith.extui %sign3A_402 : i1 to i32
        %sign3A_404 = arith.subi %sign3A_400, %sign3A_403 : i32
        %ne3A_405 = arith.cmpi ne, %sign3A_397, %sign3A_404 : i32
        %rem3A_406 = arith.remsi %sub3A_388, %jit3A_389 : i32
        %ne3A_407 = arith.constant 0 : i32
        %ne3A_408 = arith.cmpi ne, %rem3A_406, %ne3A_407 : i32
        %and3A_409 = arith.andi %ne3A_405, %ne3A_408 : i1
        %sub3A_410 = arith.constant 1 : i32
        %sub3A_411 = arith.subi %div3A_390, %sub3A_410 : i32
        %select_n3A_412 = arith.select %and3A_409, %sub3A_411, %div3A_390 : i32
        %jit3A_413 = arith.constant 5 : i32
        %eq3A_414 = arith.constant 0 : i32
        %eq3A_415 = arith.cmpi eq, %jit3A_413, %eq3A_414 : i32
        %jit3A_416 = arith.constant 1 : i32
        %select_n3A_417 = arith.select %eq3A_415, %jit3A_416, %jit3A_413 : i32
        %rem3A_418 = arith.remsi %sub3A_388, %select_n3A_417 : i32
        %ne3A_419 = arith.constant 0 : i32
        %ne3A_420 = arith.cmpi ne, %rem3A_418, %ne3A_419 : i32
        %lt3A_421 = arith.constant 0 : i32
        %lt3A_422 = arith.cmpi slt, %rem3A_418, %lt3A_421 : i32
        %lt3A_423 = arith.constant 0 : i32
        %lt3A_424 = arith.cmpi slt, %select_n3A_417, %lt3A_423 : i32
        %ne3A_425 = arith.xori %lt3A_422, %lt3A_424 : i1
        %and3A_426 = arith.andi %ne3A_425, %ne3A_420 : i1
        %add3A_427 = arith.addi %rem3A_418, %select_n3A_417 : i32
        %select_n3A_428 = arith.select %and3A_426, %add3A_427, %rem3A_418 : i32
        %mul3A_429 = arith.constant 25 : i32
        %mul3A_430 = arith.muli %select_n3A_428, %mul3A_429 : i32
        %dma_wait3A_431 = arith.constant 0 : i32
        %dma_wait3A_432 = arith.constant 0 : i32
        %dma_wait3A_433 = tpu.memref_slice %arg4[%select_n3A_412, %mul3A_430, %add3A, %dma_wait3A_431, %dma_wait3A_432] : memref<50x125x32x8x128xf32, #tpu.memory_space<hbm>> -> memref<1x25x1x8x128xf32, #tpu.memory_space<hbm>>
        %dma_wait3A_434 = tpu.memref_squeeze %dma_wait3A_433 : memref<1x25x1x8x128xf32, #tpu.memory_space<hbm>> -> memref<25x8x128xf32, #tpu.memory_space<hbm>>
        %dma_wait3A_435 = arith.constant 0 : i32
        %dma_wait3A_436 = arith.constant 0 : i32
        %dma_wait3A_437 = tpu.memref_slice %arg4[%select_n3A_412, %mul3A_430, %add3A, %dma_wait3A_435, %dma_wait3A_436] : memref<50x125x32x8x128xf32, #tpu.memory_space<hbm>> -> memref<1x25x1x8x128xf32, #tpu.memory_space<hbm>>
        %dma_wait3A_438 = tpu.memref_squeeze %dma_wait3A_437 : memref<1x25x1x8x128xf32, #tpu.memory_space<hbm>> -> memref<25x8x128xf32, #tpu.memory_space<hbm>>
        tpu.wait_dma2 semaphore(%arg14 : memref<!tpu.dma_semaphore, #tpu.memory_space<semaphore_mem>>) src(%arg10 : memref<25x8x128xf32, #tpu.memory_space<vmem>>) dst(%dma_wait3A_438 : memref<25x8x128xf32, #tpu.memory_space<hbm>>)
      } else {
      }
      %jit3A_270 = arith.constant 5 : i32
      %div3A_271 = arith.divsi %mul3A_149, %jit3A_270 : i32
      %sign3A_272 = arith.constant 0 : i32
      %sign3A_273 = arith.cmpi sgt, %mul3A_149, %sign3A_272 : i32
      %sign3A_274 = arith.extui %sign3A_273 : i1 to i32
      %sign3A_275 = arith.constant 0 : i32
      %sign3A_276 = arith.cmpi slt, %mul3A_149, %sign3A_275 : i32
      %sign3A_277 = arith.extui %sign3A_276 : i1 to i32
      %sign3A_278 = arith.subi %sign3A_274, %sign3A_277 : i32
      %sign3A_279 = arith.constant 0 : i32
      %sign3A_280 = arith.cmpi sgt, %jit3A_270, %sign3A_279 : i32
      %sign3A_281 = arith.extui %sign3A_280 : i1 to i32
      %sign3A_282 = arith.constant 0 : i32
      %sign3A_283 = arith.cmpi slt, %jit3A_270, %sign3A_282 : i32
      %sign3A_284 = arith.extui %sign3A_283 : i1 to i32
      %sign3A_285 = arith.subi %sign3A_281, %sign3A_284 : i32
      %ne3A_286 = arith.cmpi ne, %sign3A_278, %sign3A_285 : i32
      %rem3A_287 = arith.remsi %mul3A_149, %jit3A_270 : i32
      %ne3A_288 = arith.constant 0 : i32
      %ne3A_289 = arith.cmpi ne, %rem3A_287, %ne3A_288 : i32
      %and3A_290 = arith.andi %ne3A_286, %ne3A_289 : i1
      %sub3A_291 = arith.constant 1 : i32
      %sub3A_292 = arith.subi %div3A_271, %sub3A_291 : i32
      %select_n3A_293 = arith.select %and3A_290, %sub3A_292, %div3A_271 : i32
      %jit3A_294 = arith.constant 5 : i32
      %eq3A_295 = arith.constant 0 : i32
      %eq3A_296 = arith.cmpi eq, %jit3A_294, %eq3A_295 : i32
      %jit3A_297 = arith.constant 1 : i32
      %select_n3A_298 = arith.select %eq3A_296, %jit3A_297, %jit3A_294 : i32
      %rem3A_299 = arith.remsi %mul3A_149, %select_n3A_298 : i32
      %ne3A_300 = arith.constant 0 : i32
      %ne3A_301 = arith.cmpi ne, %rem3A_299, %ne3A_300 : i32
      %lt3A_302 = arith.constant 0 : i32
      %lt3A_303 = arith.cmpi slt, %rem3A_299, %lt3A_302 : i32
      %lt3A_304 = arith.constant 0 : i32
      %lt3A_305 = arith.cmpi slt, %select_n3A_298, %lt3A_304 : i32
      %ne3A_306 = arith.xori %lt3A_303, %lt3A_305 : i1
      %and3A_307 = arith.andi %ne3A_306, %ne3A_301 : i1
      %add3A_308 = arith.addi %rem3A_299, %select_n3A_298 : i32
      %select_n3A_309 = arith.select %and3A_307, %add3A_308, %rem3A_299 : i32
      %mul3A_310 = arith.constant 25 : i32
      %mul3A_311 = arith.muli %select_n3A_309, %mul3A_310 : i32
      %dma_start3A_312 = arith.constant 0 : i32
      %dma_start3A_313 = arith.constant 0 : i32
      %dma_start3A_314 = tpu.memref_slice %arg4[%select_n3A_293, %mul3A_311, %add3A, %dma_start3A_312, %dma_start3A_313] : memref<50x125x32x8x128xf32, #tpu.memory_space<hbm>> -> memref<1x25x1x8x128xf32, #tpu.memory_space<hbm>>
      %dma_start3A_315 = tpu.memref_squeeze %dma_start3A_314 : memref<1x25x1x8x128xf32, #tpu.memory_space<hbm>> -> memref<25x8x128xf32, #tpu.memory_space<hbm>>
      %dma_start3A_316 = arith.constant 0 : i32
      %dma_start3A_317 = arith.constant 0 : i32
      %dma_start3A_318 = tpu.memref_slice %arg4[%select_n3A_293, %mul3A_311, %add3A, %dma_start3A_316, %dma_start3A_317] : memref<50x125x32x8x128xf32, #tpu.memory_space<hbm>> -> memref<1x25x1x8x128xf32, #tpu.memory_space<hbm>>
      %dma_start3A_319 = tpu.memref_squeeze %dma_start3A_318 : memref<1x25x1x8x128xf32, #tpu.memory_space<hbm>> -> memref<25x8x128xf32, #tpu.memory_space<hbm>>
      tpu.enqueue_dma source(%arg10 : memref<25x8x128xf32, #tpu.memory_space<vmem>>) target(%dma_start3A_319 : memref<25x8x128xf32, #tpu.memory_space<hbm>>) target_semaphore(%arg14 : memref<!tpu.dma_semaphore, #tpu.memory_space<semaphore_mem>>)
      %dma_wait3A_320 = arith.constant 0 : i32
      %dma_wait3A_321 = arith.constant 0 : i32
      %dma_wait3A_322 = tpu.memref_slice %arg3[%dma_wait3A_320, %dma_wait3A_321] : memref<5000x208xf32, #tpu.memory_space<hbm>> -> memref<5000x208xf32, #tpu.memory_space<hbm>>
      tpu.wait_indirect_dma semaphore(%arg13 : memref<!tpu.dma_semaphore, #tpu.memory_space<semaphore_mem>>) src(%dma_wait3A_322 : memref<5000x208xf32, #tpu.memory_space<hbm>>) dst(%arg9 : memref<128x208xf32, #tpu.memory_space<vmem>>)
      %add3A_323 = arith.constant 2 : i32
      %add3A_324 = arith.addi %mul3A_149, %add3A_323 : i32
      %lt3A_325 = arith.constant 250 : i32
      %lt3A_326 = arith.cmpi slt, %add3A_324, %lt3A_325 : i32
      %convert_element_type3A_327 = arith.extui %lt3A_326 : i1 to i32
      %cond3A_328 = arith.constant 0 : i32
      %cond3A_329 = arith.cmpi ne, %convert_element_type3A_327, %cond3A_328 : i32
      scf.if %cond3A_329 {
        %add3A_387 = arith.constant 2 : i32
        %add3A_388 = arith.addi %mul3A_149, %add3A_387 : i32
        %jit3A_389 = arith.constant 5 : i32
        %div3A_390 = arith.divsi %add3A_388, %jit3A_389 : i32
        %sign3A_391 = arith.constant 0 : i32
        %sign3A_392 = arith.cmpi sgt, %add3A_388, %sign3A_391 : i32
        %sign3A_393 = arith.extui %sign3A_392 : i1 to i32
        %sign3A_394 = arith.constant 0 : i32
        %sign3A_395 = arith.cmpi slt, %add3A_388, %sign3A_394 : i32
        %sign3A_396 = arith.extui %sign3A_395 : i1 to i32
        %sign3A_397 = arith.subi %sign3A_393, %sign3A_396 : i32
        %sign3A_398 = arith.constant 0 : i32
        %sign3A_399 = arith.cmpi sgt, %jit3A_389, %sign3A_398 : i32
        %sign3A_400 = arith.extui %sign3A_399 : i1 to i32
        %sign3A_401 = arith.constant 0 : i32
        %sign3A_402 = arith.cmpi slt, %jit3A_389, %sign3A_401 : i32
        %sign3A_403 = arith.extui %sign3A_402 : i1 to i32
        %sign3A_404 = arith.subi %sign3A_400, %sign3A_403 : i32
        %ne3A_405 = arith.cmpi ne, %sign3A_397, %sign3A_404 : i32
        %rem3A_406 = arith.remsi %add3A_388, %jit3A_389 : i32
        %ne3A_407 = arith.constant 0 : i32
        %ne3A_408 = arith.cmpi ne, %rem3A_406, %ne3A_407 : i32
        %and3A_409 = arith.andi %ne3A_405, %ne3A_408 : i1
        %sub3A_410 = arith.constant 1 : i32
        %sub3A_411 = arith.subi %div3A_390, %sub3A_410 : i32
        %select_n3A_412 = arith.select %and3A_409, %sub3A_411, %div3A_390 : i32
        %jit3A_413 = arith.constant 5 : i32
        %eq3A_414 = arith.constant 0 : i32
        %eq3A_415 = arith.cmpi eq, %jit3A_413, %eq3A_414 : i32
        %jit3A_416 = arith.constant 1 : i32
        %select_n3A_417 = arith.select %eq3A_415, %jit3A_416, %jit3A_413 : i32
        %rem3A_418 = arith.remsi %add3A_388, %select_n3A_417 : i32
        %ne3A_419 = arith.constant 0 : i32
        %ne3A_420 = arith.cmpi ne, %rem3A_418, %ne3A_419 : i32
        %lt3A_421 = arith.constant 0 : i32
        %lt3A_422 = arith.cmpi slt, %rem3A_418, %lt3A_421 : i32
        %lt3A_423 = arith.constant 0 : i32
        %lt3A_424 = arith.cmpi slt, %select_n3A_417, %lt3A_423 : i32
        %ne3A_425 = arith.xori %lt3A_422, %lt3A_424 : i1
        %and3A_426 = arith.andi %ne3A_425, %ne3A_420 : i1
        %add3A_427 = arith.addi %rem3A_418, %select_n3A_417 : i32
        %select_n3A_428 = arith.select %and3A_426, %add3A_427, %rem3A_418 : i32
        %get3A_429 = arith.index_cast %select_n3A_412 : i32 to index
        %get3A_430 = arith.constant 0 : index
        %get3A_431 = tpu.vector_load %arg5[%get3A_429, %get3A_430] {strides = array<i32>} : memref<50x128xi32, #tpu.memory_space<vmem>>, vector<16xi32>,
        %mul3A_432 = arith.constant 5 : i32
        %mul3A_433 = vector.broadcast %mul3A_432 : i32 to vector<16xi32>
        %mul3A_434 = arith.muli %get3A_431, %mul3A_433 : vector<16xi32>
        %add3A_435 = vector.broadcast %select_n3A_428 : i32 to vector<16xi32>
        %add3A_436 = arith.addi %mul3A_434, %add3A_435 : vector<16xi32>
        %swap3A_437 = arith.constant 0 : index
        %swap3A_438 = tpu.vector_load %arg6[%swap3A_437] {strides = array<i32>} : memref<128xi32, #tpu.memory_space<vmem>>, vector<16xi32>,
        tpu.vector_store %arg6[%swap3A_437], %add3A_436 {strides = array<i32>} : memref<128xi32, #tpu.memory_space<vmem>>, vector<16xi32>,
        %get3A_439 = arith.index_cast %select_n3A_412 : i32 to index
        %get3A_440 = arith.constant 16 : index
        %get3A_441 = tpu.vector_load %arg5[%get3A_439, %get3A_440] {strides = array<i32>} : memref<50x128xi32, #tpu.memory_space<vmem>>, vector<16xi32>,
        %mul3A_442 = arith.constant 5 : i32
        %mul3A_443 = vector.broadcast %mul3A_442 : i32 to vector<16xi32>
        %mul3A_444 = arith.muli %get3A_441, %mul3A_443 : vector<16xi32>
        %add3A_445 = vector.broadcast %select_n3A_428 : i32 to vector<16xi32>
        %add3A_446 = arith.addi %mul3A_444, %add3A_445 : vector<16xi32>
        %swap3A_447 = arith.constant 16 : index
        %swap3A_448 = tpu.vector_load %arg6[%swap3A_447] {strides = array<i32>} : memref<128xi32, #tpu.memory_space<vmem>>, vector<16xi32>,
        tpu.vector_store %arg6[%swap3A_447], %add3A_446 {strides = array<i32>} : memref<128xi32, #tpu.memory_space<vmem>>, vector<16xi32>,
        %get3A_449 = arith.index_cast %select_n3A_412 : i32 to index
        %get3A_450 = arith.constant 32 : index
        %get3A_451 = tpu.vector_load %arg5[%get3A_449, %get3A_450] {strides = array<i32>} : memref<50x128xi32, #tpu.memory_space<vmem>>, vector<16xi32>,
        %mul3A_452 = arith.constant 5 : i32
        %mul3A_453 = vector.broadcast %mul3A_452 : i32 to vector<16xi32>
        %mul3A_454 = arith.muli %get3A_451, %mul3A_453 : vector<16xi32>
        %add3A_455 = vector.broadcast %select_n3A_428 : i32 to vector<16xi32>
        %add3A_456 = arith.addi %mul3A_454, %add3A_455 : vector<16xi32>
        %swap3A_457 = arith.constant 32 : index
        %swap3A_458 = tpu.vector_load %arg6[%swap3A_457] {strides = array<i32>} : memref<128xi32, #tpu.memory_space<vmem>>, vector<16xi32>,
        tpu.vector_store %arg6[%swap3A_457], %add3A_456 {strides = array<i32>} : memref<128xi32, #tpu.memory_space<vmem>>, vector<16xi32>,
        %get3A_459 = arith.index_cast %select_n3A_412 : i32 to index
        %get3A_460 = arith.constant 48 : index
        %get3A_461 = tpu.vector_load %arg5[%get3A_459, %get3A_460] {strides = array<i32>} : memref<50x128xi32, #tpu.memory_space<vmem>>, vector<16xi32>,
        %mul3A_462 = arith.constant 5 : i32
        %mul3A_463 = vector.broadcast %mul3A_462 : i32 to vector<16xi32>
        %mul3A_464 = arith.muli %get3A_461, %mul3A_463 : vector<16xi32>
        %add3A_465 = vector.broadcast %select_n3A_428 : i32 to vector<16xi32>
        %add3A_466 = arith.addi %mul3A_464, %add3A_465 : vector<16xi32>
        %swap3A_467 = arith.constant 48 : index
        %swap3A_468 = tpu.vector_load %arg6[%swap3A_467] {strides = array<i32>} : memref<128xi32, #tpu.memory_space<vmem>>, vector<16xi32>,
        tpu.vector_store %arg6[%swap3A_467], %add3A_466 {strides = array<i32>} : memref<128xi32, #tpu.memory_space<vmem>>, vector<16xi32>,
        %get3A_469 = arith.index_cast %select_n3A_412 : i32 to index
        %get3A_470 = arith.constant 64 : index
        %get3A_471 = tpu.vector_load %arg5[%get3A_469, %get3A_470] {strides = array<i32>} : memref<50x128xi32, #tpu.memory_space<vmem>>, vector<16xi32>,
        %mul3A_472 = arith.constant 5 : i32
        %mul3A_473 = vector.broadcast %mul3A_472 : i32 to vector<16xi32>
        %mul3A_474 = arith.muli %get3A_471, %mul3A_473 : vector<16xi32>
        %add3A_475 = vector.broadcast %select_n3A_428 : i32 to vector<16xi32>
        %add3A_476 = arith.addi %mul3A_474, %add3A_475 : vector<16xi32>
        %swap3A_477 = arith.constant 64 : index
        %swap3A_478 = tpu.vector_load %arg6[%swap3A_477] {strides = array<i32>} : memref<128xi32, #tpu.memory_space<vmem>>, vector<16xi32>,
        tpu.vector_store %arg6[%swap3A_477], %add3A_476 {strides = array<i32>} : memref<128xi32, #tpu.memory_space<vmem>>, vector<16xi32>,
        %get3A_479 = arith.index_cast %select_n3A_412 : i32 to index
        %get3A_480 = arith.constant 80 : index
        %get3A_481 = tpu.vector_load %arg5[%get3A_479, %get3A_480] {strides = array<i32>} : memref<50x128xi32, #tpu.memory_space<vmem>>, vector<16xi32>,
        %mul3A_482 = arith.constant 5 : i32
        %mul3A_483 = vector.broadcast %mul3A_482 : i32 to vector<16xi32>
        %mul3A_484 = arith.muli %get3A_481, %mul3A_483 : vector<16xi32>
        %add3A_485 = vector.broadcast %select_n3A_428 : i32 to vector<16xi32>
        %add3A_486 = arith.addi %mul3A_484, %add3A_485 : vector<16xi32>
        %swap3A_487 = arith.constant 80 : index
        %swap3A_488 = tpu.vector_load %arg6[%swap3A_487] {strides = array<i32>} : memref<128xi32, #tpu.memory_space<vmem>>, vector<16xi32>,
        tpu.vector_store %arg6[%swap3A_487], %add3A_486 {strides = array<i32>} : memref<128xi32, #tpu.memory_space<vmem>>, vector<16xi32>,
        %get3A_489 = arith.index_cast %select_n3A_412 : i32 to index
        %get3A_490 = arith.constant 96 : index
        %get3A_491 = tpu.vector_load %arg5[%get3A_489, %get3A_490] {strides = array<i32>} : memref<50x128xi32, #tpu.memory_space<vmem>>, vector<16xi32>,
        %mul3A_492 = arith.constant 5 : i32
        %mul3A_493 = vector.broadcast %mul3A_492 : i32 to vector<16xi32>
        %mul3A_494 = arith.muli %get3A_491, %mul3A_493 : vector<16xi32>
        %add3A_495 = vector.broadcast %select_n3A_428 : i32 to vector<16xi32>
        %add3A_496 = arith.addi %mul3A_494, %add3A_495 : vector<16xi32>
        %swap3A_497 = arith.constant 96 : index
        %swap3A_498 = tpu.vector_load %arg6[%swap3A_497] {strides = array<i32>} : memref<128xi32, #tpu.memory_space<vmem>>, vector<16xi32>,
        tpu.vector_store %arg6[%swap3A_497], %add3A_496 {strides = array<i32>} : memref<128xi32, #tpu.memory_space<vmem>>, vector<16xi32>,
        %get3A_499 = arith.index_cast %select_n3A_412 : i32 to index
        %get3A_500 = arith.constant 112 : index
        %get3A_501 = tpu.vector_load %arg5[%get3A_499, %get3A_500] {strides = array<i32>} : memref<50x128xi32, #tpu.memory_space<vmem>>, vector<16xi32>,
        %mul3A_502 = arith.constant 5 : i32
        %mul3A_503 = vector.broadcast %mul3A_502 : i32 to vector<16xi32>
        %mul3A_504 = arith.muli %get3A_501, %mul3A_503 : vector<16xi32>
        %add3A_505 = vector.broadcast %select_n3A_428 : i32 to vector<16xi32>
        %add3A_506 = arith.addi %mul3A_504, %add3A_505 : vector<16xi32>
        %swap3A_507 = arith.constant 112 : index
        %swap3A_508 = tpu.vector_load %arg6[%swap3A_507] {strides = array<i32>} : memref<128xi32, #tpu.memory_space<vmem>>, vector<16xi32>,
        tpu.vector_store %arg6[%swap3A_507], %add3A_506 {strides = array<i32>} : memref<128xi32, #tpu.memory_space<vmem>>, vector<16xi32>,
        %dma_start3A_509 = arith.constant 0 : i32
        %dma_start3A_510 = arith.constant 0 : i32
        %dma_start3A_511 = tpu.memref_slice %arg3[%dma_start3A_509, %dma_start3A_510] : memref<5000x208xf32, #tpu.memory_space<hbm>> -> memref<5000x208xf32, #tpu.memory_space<hbm>>
        tpu.enqueue_indirect_dma source(%dma_start3A_511 : memref<5000x208xf32, #tpu.memory_space<hbm>>) target(%arg8 : memref<128x208xf32, #tpu.memory_space<vmem>>) offsets(%arg6 : memref<128xi32, #tpu.memory_space<vmem>>) semaphore(%arg12 : memref<!tpu.dma_semaphore, #tpu.memory_space<semaphore_mem>>)
      } else {
      }
      %ge3A_330 = arith.constant 1 : i32
      %ge3A_331 = arith.cmpi sge, %mul3A_149, %ge3A_330 : i32
      %convert_element_type3A_332 = arith.extui %ge3A_331 : i1 to i32
      %cond3A_333 = arith.constant 0 : i32
      %cond3A_334 = arith.cmpi ne, %convert_element_type3A_332, %cond3A_333 : i32
      scf.if %cond3A_334 {
        %sub3A_387 = arith.constant 1 : i32
        %sub3A_388 = arith.subi %mul3A_149, %sub3A_387 : i32
        %jit3A_389 = arith.constant 5 : i32
        %div3A_390 = arith.divsi %sub3A_388, %jit3A_389 : i32
        %sign3A_391 = arith.constant 0 : i32
        %sign3A_392 = arith.cmpi sgt, %sub3A_388, %sign3A_391 : i32
        %sign3A_393 = arith.extui %sign3A_392 : i1 to i32
        %sign3A_394 = arith.constant 0 : i32
        %sign3A_395 = arith.cmpi slt, %sub3A_388, %sign3A_394 : i32
        %sign3A_396 = arith.extui %sign3A_395 : i1 to i32
        %sign3A_397 = arith.subi %sign3A_393, %sign3A_396 : i32
        %sign3A_398 = arith.constant 0 : i32
        %sign3A_399 = arith.cmpi sgt, %jit3A_389, %sign3A_398 : i32
        %sign3A_400 = arith.extui %sign3A_399 : i1 to i32
        %sign3A_401 = arith.constant 0 : i32
        %sign3A_402 = arith.cmpi slt, %jit3A_389, %sign3A_401 : i32
        %sign3A_403 = arith.extui %sign3A_402 : i1 to i32
        %sign3A_404 = arith.subi %sign3A_400, %sign3A_403 : i32
        %ne3A_405 = arith.cmpi ne, %sign3A_397, %sign3A_404 : i32
        %rem3A_406 = arith.remsi %sub3A_388, %jit3A_389 : i32
        %ne3A_407 = arith.constant 0 : i32
        %ne3A_408 = arith.cmpi ne, %rem3A_406, %ne3A_407 : i32
        %and3A_409 = arith.andi %ne3A_405, %ne3A_408 : i1
        %sub3A_410 = arith.constant 1 : i32
        %sub3A_411 = arith.subi %div3A_390, %sub3A_410 : i32
        %select_n3A_412 = arith.select %and3A_409, %sub3A_411, %div3A_390 : i32
        %jit3A_413 = arith.constant 5 : i32
        %eq3A_414 = arith.constant 0 : i32
        %eq3A_415 = arith.cmpi eq, %jit3A_413, %eq3A_414 : i32
        %jit3A_416 = arith.constant 1 : i32
        %select_n3A_417 = arith.select %eq3A_415, %jit3A_416, %jit3A_413 : i32
        %rem3A_418 = arith.remsi %sub3A_388, %select_n3A_417 : i32
        %ne3A_419 = arith.constant 0 : i32
        %ne3A_420 = arith.cmpi ne, %rem3A_418, %ne3A_419 : i32
        %lt3A_421 = arith.constant 0 : i32
        %lt3A_422 = arith.cmpi slt, %rem3A_418, %lt3A_421 : i32
        %lt3A_423 = arith.constant 0 : i32
        %lt3A_424 = arith.cmpi slt, %select_n3A_417, %lt3A_423 : i32
        %ne3A_425 = arith.xori %lt3A_422, %lt3A_424 : i1
        %and3A_426 = arith.andi %ne3A_425, %ne3A_420 : i1
        %add3A_427 = arith.addi %rem3A_418, %select_n3A_417 : i32
        %select_n3A_428 = arith.select %and3A_426, %add3A_427, %rem3A_418 : i32
        %mul3A_429 = arith.constant 25 : i32
        %mul3A_430 = arith.muli %select_n3A_428, %mul3A_429 : i32
        %dma_wait3A_431 = arith.constant 0 : i32
        %dma_wait3A_432 = arith.constant 0 : i32
        %dma_wait3A_433 = tpu.memref_slice %arg4[%select_n3A_412, %mul3A_430, %add3A, %dma_wait3A_431, %dma_wait3A_432] : memref<50x125x32x8x128xf32, #tpu.memory_space<hbm>> -> memref<1x25x1x8x128xf32, #tpu.memory_space<hbm>>
        %dma_wait3A_434 = tpu.memref_squeeze %dma_wait3A_433 : memref<1x25x1x8x128xf32, #tpu.memory_space<hbm>> -> memref<25x8x128xf32, #tpu.memory_space<hbm>>
        %dma_wait3A_435 = arith.constant 0 : i32
        %dma_wait3A_436 = arith.constant 0 : i32
        %dma_wait3A_437 = tpu.memref_slice %arg4[%select_n3A_412, %mul3A_430, %add3A, %dma_wait3A_435, %dma_wait3A_436] : memref<50x125x32x8x128xf32, #tpu.memory_space<hbm>> -> memref<1x25x1x8x128xf32, #tpu.memory_space<hbm>>
        %dma_wait3A_438 = tpu.memref_squeeze %dma_wait3A_437 : memref<1x25x1x8x128xf32, #tpu.memory_space<hbm>> -> memref<25x8x128xf32, #tpu.memory_space<hbm>>
        tpu.wait_dma2 semaphore(%arg15 : memref<!tpu.dma_semaphore, #tpu.memory_space<semaphore_mem>>) src(%arg11 : memref<25x8x128xf32, #tpu.memory_space<vmem>>) dst(%dma_wait3A_438 : memref<25x8x128xf32, #tpu.memory_space<hbm>>)
      } else {
      }
      %add3A_335 = arith.constant 1 : i32
      %add3A_336 = arith.addi %mul3A_149, %add3A_335 : i32
      %jit3A_337 = arith.constant 5 : i32
      %div3A_338 = arith.divsi %add3A_336, %jit3A_337 : i32
      %sign3A_339 = arith.constant 0 : i32
      %sign3A_340 = arith.cmpi sgt, %add3A_336, %sign3A_339 : i32
      %sign3A_341 = arith.extui %sign3A_340 : i1 to i32
      %sign3A_342 = arith.constant 0 : i32
      %sign3A_343 = arith.cmpi slt, %add3A_336, %sign3A_342 : i32
      %sign3A_344 = arith.extui %sign3A_343 : i1 to i32
      %sign3A_345 = arith.subi %sign3A_341, %sign3A_344 : i32
      %sign3A_346 = arith.constant 0 : i32
      %sign3A_347 = arith.cmpi sgt, %jit3A_337, %sign3A_346 : i32
      %sign3A_348 = arith.extui %sign3A_347 : i1 to i32
      %sign3A_349 = arith.constant 0 : i32
      %sign3A_350 = arith.cmpi slt, %jit3A_337, %sign3A_349 : i32
      %sign3A_351 = arith.extui %sign3A_350 : i1 to i32
      %sign3A_352 = arith.subi %sign3A_348, %sign3A_351 : i32
      %ne3A_353 = arith.cmpi ne, %sign3A_345, %sign3A_352 : i32
      %rem3A_354 = arith.remsi %add3A_336, %jit3A_337 : i32
      %ne3A_355 = arith.constant 0 : i32
      %ne3A_356 = arith.cmpi ne, %rem3A_354, %ne3A_355 : i32
      %and3A_357 = arith.andi %ne3A_353, %ne3A_356 : i1
      %sub3A_358 = arith.constant 1 : i32
      %sub3A_359 = arith.subi %div3A_338, %sub3A_358 : i32
      %select_n3A_360 = arith.select %and3A_357, %sub3A_359, %div3A_338 : i32
      %jit3A_361 = arith.constant 5 : i32
      %eq3A_362 = arith.constant 0 : i32
      %eq3A_363 = arith.cmpi eq, %jit3A_361, %eq3A_362 : i32
      %jit3A_364 = arith.constant 1 : i32
      %select_n3A_365 = arith.select %eq3A_363, %jit3A_364, %jit3A_361 : i32
      %rem3A_366 = arith.remsi %add3A_336, %select_n3A_365 : i32
      %ne3A_367 = arith.constant 0 : i32
      %ne3A_368 = arith.cmpi ne, %rem3A_366, %ne3A_367 : i32
      %lt3A_369 = arith.constant 0 : i32
      %lt3A_370 = arith.cmpi slt, %rem3A_366, %lt3A_369 : i32
      %lt3A_371 = arith.constant 0 : i32
      %lt3A_372 = arith.cmpi slt, %select_n3A_365, %lt3A_371 : i32
      %ne3A_373 = arith.xori %lt3A_370, %lt3A_372 : i1
      %and3A_374 = arith.andi %ne3A_373, %ne3A_368 : i1
      %add3A_375 = arith.addi %rem3A_366, %select_n3A_365 : i32
      %select_n3A_376 = arith.select %and3A_374, %add3A_375, %rem3A_366 : i32
      %mul3A_377 = arith.constant 25 : i32
      %mul3A_378 = arith.muli %select_n3A_376, %mul3A_377 : i32
      %dma_start3A_379 = arith.constant 0 : i32
      %dma_start3A_380 = arith.constant 0 : i32
      %dma_start3A_381 = tpu.memref_slice %arg4[%select_n3A_360, %mul3A_378, %add3A, %dma_start3A_379, %dma_start3A_380] : memref<50x125x32x8x128xf32, #tpu.memory_space<hbm>> -> memref<1x25x1x8x128xf32, #tpu.memory_space<hbm>>
      %dma_start3A_382 = tpu.memref_squeeze %dma_start3A_381 : memref<1x25x1x8x128xf32, #tpu.memory_space<hbm>> -> memref<25x8x128xf32, #tpu.memory_space<hbm>>
      %dma_start3A_383 = arith.constant 0 : i32
      %dma_start3A_384 = arith.constant 0 : i32
      %dma_start3A_385 = tpu.memref_slice %arg4[%select_n3A_360, %mul3A_378, %add3A, %dma_start3A_383, %dma_start3A_384] : memref<50x125x32x8x128xf32, #tpu.memory_space<hbm>> -> memref<1x25x1x8x128xf32, #tpu.memory_space<hbm>>
      %dma_start3A_386 = tpu.memref_squeeze %dma_start3A_385 : memref<1x25x1x8x128xf32, #tpu.memory_space<hbm>> -> memref<25x8x128xf32, #tpu.memory_space<hbm>>
      tpu.enqueue_dma source(%arg11 : memref<25x8x128xf32, #tpu.memory_space<vmem>>) target(%dma_start3A_386 : memref<25x8x128xf32, #tpu.memory_space<hbm>>) target_semaphore(%arg15 : memref<!tpu.dma_semaphore, #tpu.memory_space<semaphore_mem>>)
    }
    %scan3A_125 = arith.constant 125 : i32
    %dma_wait3A = arith.constant 49 : i32
    %dma_wait3A_126 = arith.constant 75 : i32
    %dma_wait3A_127 = arith.constant 0 : i32
    %dma_wait3A_128 = arith.constant 0 : i32
    %dma_wait3A_129 = tpu.memref_slice %arg4[%dma_wait3A, %dma_wait3A_126, %add3A, %dma_wait3A_127, %dma_wait3A_128] : memref<50x125x32x8x128xf32, #tpu.memory_space<hbm>> -> memref<1x25x1x8x128xf32, #tpu.memory_space<hbm>>
    %dma_wait3A_130 = tpu.memref_squeeze %dma_wait3A_129 : memref<1x25x1x8x128xf32, #tpu.memory_space<hbm>> -> memref<25x8x128xf32, #tpu.memory_space<hbm>>
    %dma_wait3A_131 = arith.constant 75 : i32
    %dma_wait3A_132 = arith.constant 0 : i32
    %dma_wait3A_133 = arith.constant 0 : i32
    %dma_wait3A_134 = tpu.memref_slice %arg4[%dma_wait3A, %dma_wait3A_131, %add3A, %dma_wait3A_132, %dma_wait3A_133] : memref<50x125x32x8x128xf32, #tpu.memory_space<hbm>> -> memref<1x25x1x8x128xf32, #tpu.memory_space<hbm>>
    %dma_wait3A_135 = tpu.memref_squeeze %dma_wait3A_134 : memref<1x25x1x8x128xf32, #tpu.memory_space<hbm>> -> memref<25x8x128xf32, #tpu.memory_space<hbm>>
    tpu.wait_dma2 semaphore(%arg14 : memref<!tpu.dma_semaphore, #tpu.memory_space<semaphore_mem>>) src(%arg10 : memref<25x8x128xf32, #tpu.memory_space<vmem>>) dst(%dma_wait3A_135 : memref<25x8x128xf32, #tpu.memory_space<hbm>>)
    %dma_wait3A_136 = arith.constant 49 : i32
    %dma_wait3A_137 = arith.constant 100 : i32
    %dma_wait3A_138 = arith.constant 0 : i32
    %dma_wait3A_139 = arith.constant 0 : i32
    %dma_wait3A_140 = tpu.memref_slice %arg4[%dma_wait3A_136, %dma_wait3A_137, %add3A, %dma_wait3A_138, %dma_wait3A_139] : memref<50x125x32x8x128xf32, #tpu.memory_space<hbm>> -> memref<1x25x1x8x128xf32, #tpu.memory_space<hbm>>
    %dma_wait3A_141 = tpu.memref_squeeze %dma_wait3A_140 : memref<1x25x1x8x128xf32, #tpu.memory_space<hbm>> -> memref<25x8x128xf32, #tpu.memory_space<hbm>>
    %dma_wait3A_142 = arith.constant 100 : i32
    %dma_wait3A_143 = arith.constant 0 : i32
    %dma_wait3A_144 = arith.constant 0 : i32
    %dma_wait3A_145 = tpu.memref_slice %arg4[%dma_wait3A_136, %dma_wait3A_142, %add3A, %dma_wait3A_143, %dma_wait3A_144] : memref<50x125x32x8x128xf32, #tpu.memory_space<hbm>> -> memref<1x25x1x8x128xf32, #tpu.memory_space<hbm>>
    %dma_wait3A_146 = tpu.memref_squeeze %dma_wait3A_145 : memref<1x25x1x8x128xf32, #tpu.memory_space<hbm>> -> memref<25x8x128xf32, #tpu.memory_space<hbm>>
    tpu.wait_dma2 semaphore(%arg15 : memref<!tpu.dma_semaphore, #tpu.memory_space<semaphore_mem>>) src(%arg11 : memref<25x8x128xf32, #tpu.memory_space<vmem>>) dst(%dma_wait3A_146 : memref<25x8x128xf32, #tpu.memory_space<hbm>>)
    return
  }
}

</mosaic_0001>

<sc_bundles>
// kernel: kernel.3.cloned.1.call-start
scs
__scs_entry_jumppad:
0x0: {  	(pc) =	sbr.rel $0x88, $3  }
0x1: {  	(tag) =	ssettag $0x0;
	lr =	simm.s32 $0x1  }
0x2: {  	[smem:$0x3F9F] =	sst lr;
	_ =	strace $0xD0000000  }
0x3: {  	_ = 	snop  }
0x4: {  	_ = 	snop  }
0x5: {  	_ = 	snop  }
0x6: {  	_ = 	snop  }
0x7: {  	_ = 	snop  }
__scs_overlays_trampoline_lowered:
0x8: {  	[smem:$0x3FAE] =	sst s0  }
0x9: {  	[smem:$0x3FAF] =	sst s1  }
0xa: {  	[smem:$0x3FB0] =	sst s2  }
0xb: {  	[smem:$0x3FB1] =	sst s3  }
0xc: {  	[smem:$0x3FB2] =	sst s4  }
0xd: {  	[smem:$0x3FB3] =	sst s5  }
0xe: {  	[smem:$0x3FB4] =	sst s6  }
0xf: {  	[smem:$0x3FB5] =	sst s7  }
0x10: {  	[smem:$0x3FB6] =	sst s8  }
0x11: {  	[smem:$0x3FB7] =	sst s9;
	s0 =	simm.s32 @!p0 $0x0  }
0x12: {  	s1 =	sld [smem:$0x3F9D];
	s0 =	simm.s32 @p0 $0x1  }
0x13: {  	[smem:$0x3FB8] =	sst s0;
	s0 =	simm.s32 @!p1 $0x0  }
0x14: {  	s2 =	sld [smem:$0x3F9C];
	s0 =	simm.s32 @p1 $0x1  }
0x15: {  	[smem:$0x3FB9] =	sst s0;
	s0 =	simm.s32 @!p2 $0x0  }
0x16: {  	s3 =	sld [smem:$0x3FDB];
	s0 =	simm.s32 @p2 $0x1  }
0x17: {  	s4 =	simm.s32 $0x1BF5;
	[smem:$0x3FBB] =	sst s0  }
0x18: {  	s0 =	sld [smem:$0x3F9E];
	_ =	swait.ge [sflag:s4], $0x0  }
0x19: {  	s7 =	sld [smem:$0x3F9F]  }
0x1a: {  	s8 =	sadd.s32 $0xFFFFE003, lr  }
0x1b: {  	s9 =	sadd.s32 $0xFFFFFEF7, lr;
	s5 =	simm.s32 $0xFFFFFFFF;
	p2 =	slt.u32 s8, $0xFFFFF086  }
0x1c: {  	p1 =	slt.u32 s9, $0xF7A;
	s5 =	simm.s32 @!p2 $0x0  }
0x1d: {  	s5 =	simm.s32 @p1 $0x1;
	p0 =	seq.s32 s7, s2  }
0x1e: {  	s7 =	smul.u32 @!p0 $0xF7A, s2;
	p2 =	seq.s32 @!p0 s5, $0x0  }
0x1f: {  	s9 =	smul.u32 $0xF7A, s1;
	s8 =	simm.s32 @!p0 $0x1BF5;
	p2 =	por !p2, p0  }
0x20: {  	[sflag:s8] =	ssyncset.s32 @!p0 $0xFFFFF086;
	s6 =	sadd.s32 @!p0 s3, s7;
	s7 =	simm.s32 @!p0 $0x108  }
0x21: {  	s3 =	sadd.s32 s3, s9;
	s6 =	sadd.s32 @!p0 $0x88, s6;
	s7 =	simm.s32 @p2 $0x1082  }
0x22: {  	[simem:s7], [sflag:s8] =	dma.local @!p0 [hbm:s6], $0xF7A  }
0x23: {  	s9 =	sor.u32 $0xD0000000, s2;
	s6 =	simm.s32 $0x108;
	_ =	swait.ge @!p0 [sflag:s8], $0x0  }
0x24: {  	s3 =	sadd.s32 $0x88, s3;
	s6 =	simm.s32 @!p1 $0x1082;
	[sflag:s4] =	ssyncset.s32 $0xFFFFF086  }
0x25: {  	[simem:s6], [sflag:s4] =	dma.local [hbm:s3], $0xF7A  }
0x26: {  	[smem:$0x3F9F] =	sst s1;
	(tag) =	ssettag s2;
	_ =	strace s9  }
0x27: {  	s1 =	sld [smem:$0x3FAF]  }
0x28: {  	s2 =	sld [smem:$0x3FB0]  }
0x29: {  	s4 =	sld [smem:$0x3FB2]  }
0x2a: {  	p0 =	seq.s32 s5, $0x0;
	s5 =	sld [smem:$0x3FB3]  }
0x2b: {  	s6 =	sld [smem:$0x3FB4]  }
0x2c: {  	s7 =	sld [smem:$0x3FB5]  }
0x2d: {  	s3 =	simm.s32 $0x108;
	s8 =	sld [smem:$0x3FB6]  }
0x2e: {  	s3 =	simm.s32 @!p0 $0x1082;
	s9 =	sld [smem:$0x3FB7]  }
0x2f: {  	lr =	sadd.s32 s0, s3;
	s0 =	sld [smem:$0x3FAE]  }
0x30: {  	s3 =	sld [smem:$0x3FB1]  }
0x31: {  	[smem:$0x3FBA] =	sst s10  }
0x32: {  	s10 =	sld [smem:$0x3FB8];
	_ =	sdelay $0x3  }
0x33: {  	p0 =	seq.s32 s10, $0x1;
	s10 =	sld [smem:$0x3FBA];
	_ =	sdelay $0x3  }
0x34: {  	[smem:$0x3FBA] =	sst s10  }
0x35: {  	s10 =	sld [smem:$0x3FB9];
	_ =	sdelay $0x3  }
0x36: {  	p1 =	seq.s32 s10, $0x1;
	s10 =	sld [smem:$0x3FBA];
	_ =	sdelay $0x3  }
0x37: {  	[smem:$0x3FBA] =	sst s10  }
0x38: {  	s10 =	sld [smem:$0x3FBB]  }
0x39: {  	_ = 	snop;
	(pc) =	sbr.ind lr, $3  }
0x3a: {  	_ = 	snop  }
0x3b: {  	_ = 	snop  }
0x3c: {  	p2 =	seq.s32 s10, $0x1;
	s10 =	sld [smem:$0x3FBA]  }
0x3d: {  	_ =	shalt  }
0x3e: {  	_ =	shalt  }
0x3f: {  	_ =	shalt  }
0x40: {  	_ =	shalt  }
0x41: {  	_ =	shalt  }
0x42: {  	_ =	shalt  }
0x43: {  	_ =	shalt  }
0x44: {  	_ =	shalt  }
0x45: {  	_ =	shalt  }
0x46: {  	_ =	shalt  }
0x47: {  	_ =	shalt  }
0x48: {  	_ =	shalt  }
0x49: {  	_ =	shalt  }
0x4a: {  	_ =	shalt  }
0x4b: {  	_ =	shalt  }
0x4c: {  	_ =	shalt  }
0x4d: {  	_ =	shalt  }
0x4e: {  	_ =	shalt  }
0x4f: {  	_ =	shalt  }
0x50: {  	_ =	shalt  }
0x51: {  	_ =	shalt  }
0x52: {  	_ =	shalt  }
0x53: {  	_ =	shalt  }
0x54: {  	_ =	shalt  }
0x55: {  	_ =	shalt  }
0x56: {  	_ =	shalt  }
0x57: {  	_ =	shalt  }
0x58: {  	_ =	shalt  }
0x59: {  	_ =	shalt  }
0x5a: {  	_ =	shalt  }
0x5b: {  	_ =	shalt  }
0x5c: {  	_ =	shalt  }
0x5d: {  	_ =	shalt  }
0x5e: {  	_ =	shalt  }
0x5f: {  	_ =	shalt  }
0x60: {  	_ =	shalt  }
0x61: {  	_ =	shalt  }
0x62: {  	_ =	shalt  }
0x63: {  	_ =	shalt  }
0x64: {  	_ =	shalt  }
0x65: {  	_ =	shalt  }
0x66: {  	_ =	shalt  }
0x67: {  	_ =	shalt  }
0x68: {  	_ =	shalt  }
0x69: {  	_ =	shalt  }
0x6a: {  	_ =	shalt  }
0x6b: {  	_ =	shalt  }
0x6c: {  	_ =	shalt  }
0x6d: {  	_ =	shalt  }
0x6e: {  	_ =	shalt  }
0x6f: {  	_ =	shalt  }
0x70: {  	_ =	shalt  }
0x71: {  	_ =	shalt  }
0x72: {  	_ =	shalt  }
0x73: {  	_ =	shalt  }
0x74: {  	_ =	shalt  }
0x75: {  	_ =	shalt  }
0x76: {  	_ =	shalt  }
0x77: {  	_ =	shalt  }
0x78: {  	_ =	shalt  }
0x79: {  	_ =	shalt  }
0x7a: {  	_ =	shalt  }
0x7b: {  	_ =	shalt  }
0x7c: {  	_ =	shalt  }
0x7d: {  	_ =	shalt  }
0x7e: {  	_ =	shalt  }
0x7f: {  	_ =	shalt  }
0x80: {  	_ =	shalt  }
0x81: {  	_ =	shalt  }
0x82: {  	_ =	shalt  }
0x83: {  	_ =	shalt  }
0x84: {  	_ =	shalt  }
0x85: {  	_ =	shalt  }
0x86: {  	_ =	shalt  }
0x87: {  	_ =	shalt  }
.Lfunc_end0:
.L_simem_size_0:
called_computation_lowered:
.L_overlay_start_0:
0x88: {  	s2 =	sld [smem:$0x3FD9]  }
0x89: {  	s3 =	sld [smem:$0x3FFE];
	_ =	sdelay $0x1  }
0x8a: {  	s1 =	srdreg.scid  }
0x8b: {  	s0 =	sand.u32 $0x1, s1  }
0x8c: {  	s17 =	sshll.u32 s0, $0xA;
	s2 =	sadd.s32 s3, s2  }
0x8d: {  	s2 =	sadd.s32 s2, s17  }
0x8e: {  	[smem:$0x3FC6] =	sst s2  }
0x8f: {  	_ = 	snop  }
0x90: {  	s2 =	sld [smem:$0x3FD0];
	(tm) =	ssettm $0x1  }
0x91: {  	s18 =	sld [smem:$0x3FFB];
	_ =	sdelay $0x3  }
0x92: {  	_ =	strace s18  }
0x93: {  	s3 =	sld [smem:$0x3FFC];
	_ =	sdelay $0x3  }
0x94: {  	_ =	strace s3  }
0x95: {  	s3 =	sld [smem:$0x3FFD];
	_ =	sdelay $0x3  }
0x96: {  	_ =	strace s3  }
0x97: {  	_ =	strace $0x8FFFFFFF  }
0x98: {  	s19 =	sld [smem:$0x3FDB];
	_ =	sdelay $0x1  }
0x99: {  	s4 =	simm.s32 $_scs_section_size  }
0x9a: {  	s5 =	simm.s32 $_size__tile_overlayer_lowered;
	s6 =	simm.s32 $_tile_overlayer_lowered  }
0x9b: {  	s22 =	simm.s32 $0x1BFF;
	s21 =	sshll.u32 s6, $0x1;
	s3 =	sadd.s32 s4, s19  }
0x9c: {  	s7 =	simm.s32 $0x0;
	s20 =	sshll.u32 s5, $0x1;
	s5 =	sadd.s32 s21, s3  }
0x9d: {  	[timem:s7], [sflag:s22] =	dma.local [hbm:s5], s20  }
0x9e: {  	_ =	swait.ge [sflag:s22], s20  }
0x9f: {  	s4 =	ssub.s32 $0x0, s20;
	[sflag:s22] =	ssyncset.done $0x0  }
0xa0: {  	[sflag:s22] =	ssyncadd.s32 s4;
	_ =	sdelay $0x1  }
0xa1: {  	s23 =	simm.s32 $0x1B8B  }
0xa2: {  	_ =	swait.ge [sflag:s23], $0x1  }
0xa3: {  	[sflag:s23] =	ssyncset.done $0x0  }
0xa4: {  	s25 =	simm.s32 $0x1B8E;
	s24 =	sld [smem:$0x3FFE];
	[sflag:s23] =	ssyncadd.s32 $0xFFFFFFFF  }
0xa5: {  	s26 =	simm.s32 $execute0_lowered;
	[smem:$0x3FD2] =	sst s25  }
0xa6: {  	s5 =	sshll.u32 s26, $0x1;
	_ =	strace $0x80000046;
	[dreg:$0x1] =	wrdreg $0xFFFFFFFF  }
0xa7: {  	s28 =	simm.s32 $_size_execute0_lowered;
	s3 =	sadd.s32 s3, s5;
	[dreg:$0x0] =	wrdreg $0x0  }
0xa8: {  	s5 =	sshll.u32 s28, $0x1;
	[dreg:$0x2] =	wrdreg s3  }
0xa9: {  	[dreg:$0x3] =	wrdreg s5  }
0xaa: {  	[dreg:$0x4] =	wrdreg $0xC0  }
0xab: {  	_ =	task [dreg:s7], $0x5FFFF  }
0xac: {  	[dreg:$0x1] =	wrdreg $0xFFFFFFFF  }
0xad: {  	[dreg:$0x0] =	wrdreg $0x60  }
0xae: {  	[dreg:$0x2] =	wrdreg s24  }
0xaf: {  	[dreg:$0x3] =	wrdreg s2  }
0xb0: {  	[dreg:$0x4] =	wrdreg $0x9  }
0xb1: {  	_ =	task.clear_ibuf [dreg:s7], $0x5FFFF;
	_ =	strace $0x90000046  }
0xb2: {  	s29 =	simm.s32 $0x9;
	_ =	strace $0x80000048  }
0xb3: {  	_ =	swait.ge [sflag:s29], $0x1  }
0xb4: {  	[sflag:s29] =	ssyncadd.s32 $0xFFFFFFFF  }
0xb5: {  	_ =	strace $0x90000048  }
0xb6: {  	_ =	sfence  }
0xb7: {  	s30 =	sld [smem:$0x0];
	_ =	sdelay $0x2  }
0xb8: {  	s31 =	sshll.u32 s1, $0xD;
	s1 =	sshrl.u32 s1, $0x2  }
0xb9: {  	s3 =	sand.u32 $0x4000, s31;
	s1 =	sadd.s32 s1, s30  }
0xba: {  	s0 =	sor.u32 s3, s0;
	s1 =	sshll.u32 s1, $0x11  }
0xbb: {  	s0 =	sor.u32 s1, s0  }
0xbc: {  	s0 =	sadd.s32 $0x8F2B, s0  }
0xbd: {  	[sflag:s0] =	ssyncadd.remote.s32 $0x1  }
0xbe: {  	_ =	sfence.sel $0xFFFF  }
0xbf: {  	[dreg:$0x0] =	wrdreg $0xFFFFFFFF;
	(pc) =	sbr.abs _section_cstart, $3  }
0xc0: {  	[dreg:$0x1] =	wrdreg $0xFFFFFFFF  }
0xc1: {  	_ =	task.clear_ibuf [dreg:s7], $0x2FFFF;
	_ =	strace $0x9FFFFFFF  }
0xc2: {  	(tm) =	ssettm $0x7FFFFFFF  }
0xc3: {  	_ =	shalt  }
tec
execute0_lowered:
.L_overlay_start_1:
0x0: {  	(tag) =	ssettag $0x1  }
0x1: {  	s4 =	rddreg [dreg:$0x0];
	s1 =	srdreg.scid  }
0x2: {  	s0 =	stileid.u32;
	s2 =	rddreg [dreg:$0x1];
	s3 =	simm.s32 $0x0  }
0x3: {  	s9 =	simm.s32 $0x80;
	s10 =	simm.s32 $0x1900;
	s11 =	simm.s32 $0x1A00  }
0x4: {  	s12 =	simm.s32 $0x1980;
	s13 =	simm.s32 $0x8200;
	s14 =	simm.s32 $0x1  }
0x5: {  	s15 =	simm.s32 $0x400;
	s16 =	simm.s32 $0x8000;
	s17 =	simm.s32 $0xEA00  }
0x6: {  	s18 =	simm.s32 $0x2;
	s19 =	simm.s32 $0x14E00;
	s20 =	simm.s32 $0x3  }
0x7: {  	s21 =	simm.s32 $0x4;
	s5 =	sand.u32 $0x1, s1;
	s6 =	sshll.u32 s0, $0x1  }
0x8: {  	s22 =	simm.s32 $0x0;
	s1 =	rddreg [dreg:$0x2];
	s6 =	sor.u32 s5, s6  }
0x9: {  	[smem:$0x7FF] =	sst s3;
	s5 =	ssub.s32 $0x2, s5;
	s7 =	smul.u32 $0x320, s6  }
0xa: {  	_ =	strace $0x80000047;
	s8 =	sshrl.u32 s5, $0x1;
	s6 =	sshll.u32 s6, $0xA  }
0xb: {  	s8 =	ssub.s32 s5, s8;
	s7 =	sadd.s32 s7, s4;
	s4 =	sadd.s32 $0x6A00, s4  }
0xc: {  	s5 =	sadd.s32 $0x600, s7;
	s7 =	smax.u32 s8, $0x1;
	s8 =	simm.s32 $0x5  }
.LBB2_1:
0xd: {  	[tilespmem:s3], [sflag:$0x5] =	stream.linear.gather [hbm4b:s5+s3], $0x1900, $0x38;
	[tilespmem:$0x1B200] =	vst v63  }
0xe: {  	_ =	swait.ge [sflag:s8], $0x1900  }
0xf: {  	[sflag:s8] =	ssyncset.done $0x0  }
0x10: {  	[sflag:s8] =	ssyncadd.s32 $0xFFFFE700  }
0x11: {  	v0 =	vld [tilespmem:$0x0]  }
0x12: {  	v1 =	vld [tilespmem:$0x10]  }
0x13: {  	v2 =	vld [tilespmem:$0x20]  }
0x14: {  	v3 =	vld [tilespmem:$0x30]  }
0x15: {  	v4 =	vld [tilespmem:$0x40]  }
0x16: {  	v5 =	vld [tilespmem:$0x50];
	v0 =	vmul.u32 $0x5, v0  }
0x17: {  	v6 =	vld [tilespmem:$0x60];
	v1 =	vmul.u32 $0x5, v1  }
0x18: {  	v58 =	vld [tilespmem:$0x70];
	v57 =	vmul.u32 $0x5, v2;
	[tilespmem:$0x1900] =	vst v0  }
0x19: {  	v59 =	vmul.u32 $0x5, v3;
	[tilespmem:$0x1910] =	vst v1  }
0x1a: {  	v60 =	vmul.u32 $0x5, v4;
	[tilespmem:$0x1920] =	vst v57  }
0x1b: {  	v61 =	vmul.u32 $0x5, v5;
	[tilespmem:$0x1930] =	vst v59  }
0x1c: {  	v62 =	vmul.u32 $0x5, v6;
	[tilespmem:$0x1940] =	vst v60  }
0x1d: {  	v63 =	vmul.u32 $0x5, v58;
	[tilespmem:$0x1950] =	vst v61  }
0x1e: {  	[tilespmem:$0x1960] =	vst v62  }
0x1f: {  	s23 =	simm.s32 $0x0;
	[tilespmem:$0x1970] =	vst v63  }
0x20: {  	[tilespmem:s11], [sflag:$0x1] =	stream.indirect.gather [hbm4b:s4+s9], $0xD0, s10, s9, $0xb8;
	[tilespmem:$0x1B200] =	vst v63  }
.LBB2_2:
0x21: {  	s25 =	sshllo.u32 s23, $0x1  }
0x22: {  	s24 =	sand.u32 $0xFF, s25  }
0x23: {  	s24 =	smul.u32 $0xCD, s24;
	_ =	sdelay $0x1  }
0x24: {  	s24 =	sshrl.u32 s24, $0xA  }
0x25: {  	s26 =	sshll.u32 s24, $0x7  }
0x26: {  	v0 =	vld [tilespmem:s26+$0x0];
	_ =	sdelay $0x2  }
0x27: {  	s28 =	smul.u32 $0x5, s24;
	_ =	sdelay $0x1  }
0x28: {  	s25 =	ssub.s32 s25, s28;
	v0 =	vmul.u32 $0x5, v0  }
0x29: {  	s25 =	sand.u32 $0xFF, s25  }
0x2a: {  	v0 =	vadd.s32 s25, v0  }
0x2b: {  	[tilespmem:$0x1980] =	vst v0  }
0x2c: {  	v0 =	vld [tilespmem:s26+$0x10];
	_ =	sdelay $0x4  }
0x2d: {  	v0 =	vmul.u32 $0x5, v0;
	_ =	sdelay $0x1  }
0x2e: {  	v0 =	vadd.s32 s25, v0  }
0x2f: {  	[tilespmem:$0x1990] =	vst v0  }
0x30: {  	v0 =	vld [tilespmem:s26+$0x20];
	_ =	sdelay $0x4  }
0x31: {  	v0 =	vmul.u32 $0x5, v0;
	_ =	sdelay $0x1  }
0x32: {  	v0 =	vadd.s32 s25, v0  }
0x33: {  	[tilespmem:$0x19A0] =	vst v0  }
0x34: {  	v0 =	vld [tilespmem:s26+$0x30];
	_ =	sdelay $0x4  }
0x35: {  	v0 =	vmul.u32 $0x5, v0;
	_ =	sdelay $0x1  }
0x36: {  	v0 =	vadd.s32 s25, v0  }
0x37: {  	[tilespmem:$0x19B0] =	vst v0  }
0x38: {  	v0 =	vld [tilespmem:s26+$0x40];
	_ =	sdelay $0x4  }
0x39: {  	v0 =	vmul.u32 $0x5, v0;
	_ =	sdelay $0x1  }
0x3a: {  	v0 =	vadd.s32 s25, v0  }
0x3b: {  	[tilespmem:$0x19C0] =	vst v0  }
0x3c: {  	v0 =	vld [tilespmem:s26+$0x50];
	_ =	sdelay $0x4  }
0x3d: {  	v0 =	vmul.u32 $0x5, v0;
	_ =	sdelay $0x1  }
0x3e: {  	v0 =	vadd.s32 s25, v0  }
0x3f: {  	[tilespmem:$0x19D0] =	vst v0  }
0x40: {  	v0 =	vld [tilespmem:s26+$0x60];
	_ =	sdelay $0x4  }
0x41: {  	v0 =	vmul.u32 $0x5, v0;
	_ =	sdelay $0x1  }
0x42: {  	v0 =	vadd.s32 s25, v0  }
0x43: {  	[tilespmem:$0x19E0] =	vst v0  }
0x44: {  	v0 =	vld [tilespmem:s26+$0x70];
	s26 =	sshll.u32 s23, $0x1  }
0x45: {  	s31 =	sand.u32 $0xFF, s26  }
0x46: {  	s28 =	smul.u32 $0xCD, s31;
	_ =	sdelay $0x1  }
0x47: {  	s28 =	sshrl.u32 s28, $0xA  }
0x48: {  	v0 =	vmul.u32 $0x5, v0;
	s29 =	smul.u32 $0x5, s28;
	_ =	sdelay $0x1  }
0x49: {  	v0 =	vadd.s32 s25, v0;
	s29 =	ssub.s32 s26, s29  }
0x4a: {  	s28 =	smul.u32 $0x3E8000, s28;
	[tilespmem:$0x19F0] =	vst v0;
	s29 =	sand.u32 $0xFF, s29  }
0x4b: {  	[tilespmem:s13], [sflag:$0x2] =	stream.indirect.gather [hbm4b:s4+s9], $0xD0, s12, s9, $0xb8;
	[tilespmem:$0x1B200] =	vst v63  }
0x4c: {  	s29 =	smul.u32 $0xC8000, s29;
	_ =	swait.ge [sflag:s14], $0x6800  }
0x4d: {  	p0 =	seq.s32 s23, $0x0;
	[sflag:s14] =	ssyncset.done $0x0  }
0x4e: {  	s28 =	sadd.s32 s29, s28;
	s29 =	simm.s32 @!p0 $0x3;
	[sflag:s14] =	ssyncadd.s32 $0xFFFF9800  }
0x4f: {  	s28 =	sor.u32 s6, s28;
	_ =	swait.ge @!p0 [sflag:s29], $0x6400  }
0x50: {  	s28 =	sshrl.u32 s28, $0x3;
	[sflag:s29] =	ssyncset.done @!p0 $0x0  }
0x51: {  	s28 =	sadd.s32 s2, s28;
	[sflag:s29] =	ssyncadd.s32 @!p0 $0xFFFF9C00;
	p0 =	seq.s32 s23, $0x7C  }
0x52: {  	[hbm4b:s28+s15] =	stream.strided.scatter [tilespmem:s17], [sflag:$0x3], $0x6400, s16, s15, $0x38;
	[tilespmem:$0x1B200] =	vst v63  }
0x53: {  	s26 =	sadd.s32 @!p0 $0x2, s26  }
0x54: {  	s28 =	sand.u32 @!p0 $0xFF, s26  }
0x55: {  	s28 =	smul.u32 @!p0 $0xCD, s28  }
0x56: {  	_ =	swait.ge [sflag:s18], $0x6800  }
0x57: {  	[sflag:s18] =	ssyncset.done $0x0;
	s28 =	sshrl.u32 @!p0 s28, $0xA  }
0x58: {  	[sflag:s18] =	ssyncadd.s32 $0xFFFF9800;
	s29 =	sshll.u32 @!p0 s28, $0x7  }
0x59: {  	v0 =	vld @!p0 [tilespmem:s29+$0x0];
	_ =	sdelay $0x2  }
0x5a: {  	s28 =	smul.u32 @!p0 $0x5, s28;
	_ =	sdelay $0x1  }
0x5b: {  	s26 =	ssub.s32 @!p0 s26, s28;
	v0 =	vmul.u32 @!p0 $0x5, v0  }
0x5c: {  	s26 =	sand.u32 @!p0 $0xFF, s26  }
0x5d: {  	v0 =	vadd.s32 @!p0 s26, v0  }
0x5e: {  	[tilespmem:$0x1900] =	vst @!p0 v0  }
0x5f: {  	v0 =	vld @!p0 [tilespmem:s29+$0x10];
	_ =	sdelay $0x4  }
0x60: {  	v0 =	vmul.u32 @!p0 $0x5, v0;
	_ =	sdelay $0x1  }
0x61: {  	v0 =	vadd.s32 @!p0 s26, v0  }
0x62: {  	[tilespmem:$0x1910] =	vst @!p0 v0  }
0x63: {  	v0 =	vld @!p0 [tilespmem:s29+$0x20];
	_ =	sdelay $0x4  }
0x64: {  	v0 =	vmul.u32 @!p0 $0x5, v0;
	_ =	sdelay $0x1  }
0x65: {  	v0 =	vadd.s32 @!p0 s26, v0  }
0x66: {  	[tilespmem:$0x1920] =	vst @!p0 v0  }
0x67: {  	v0 =	vld @!p0 [tilespmem:s29+$0x30];
	_ =	sdelay $0x4  }
0x68: {  	v0 =	vmul.u32 @!p0 $0x5, v0;
	_ =	sdelay $0x1  }
0x69: {  	v0 =	vadd.s32 @!p0 s26, v0  }
0x6a: {  	[tilespmem:$0x1930] =	vst @!p0 v0  }
0x6b: {  	v0 =	vld @!p0 [tilespmem:s29+$0x40];
	_ =	sdelay $0x4  }
0x6c: {  	v0 =	vmul.u32 @!p0 $0x5, v0;
	_ =	sdelay $0x1  }
0x6d: {  	v0 =	vadd.s32 @!p0 s26, v0  }
0x6e: {  	[tilespmem:$0x1940] =	vst @!p0 v0  }
0x6f: {  	v0 =	vld @!p0 [tilespmem:s29+$0x50];
	_ =	sdelay $0x4  }
0x70: {  	v0 =	vmul.u32 @!p0 $0x5, v0;
	_ =	sdelay $0x1  }
0x71: {  	v0 =	vadd.s32 @!p0 s26, v0  }
0x72: {  	[tilespmem:$0x1950] =	vst @!p0 v0  }
0x73: {  	v0 =	vld @!p0 [tilespmem:s29+$0x60];
	_ =	sdelay $0x4  }
0x74: {  	v0 =	vmul.u32 @!p0 $0x5, v0;
	_ =	sdelay $0x1  }
0x75: {  	v0 =	vadd.s32 @!p0 s26, v0  }
0x76: {  	[tilespmem:$0x1960] =	vst @!p0 v0  }
0x77: {  	v0 =	vld @!p0 [tilespmem:s29+$0x70];
	_ =	sdelay $0x4  }
0x78: {  	v0 =	vmul.u32 @!p0 $0x5, v0;
	_ =	sdelay $0x1  }
0x79: {  	p1 =	seq.s32 @!p0 s23, $0x0;
	v0 =	vadd.s32 @!p0 s26, v0  }
0x7a: {  	s28 =	simm.s32 @!p0 $0x1900;
	s29 =	simm.s32 @!p0 $0x1A00;
	s26 =	simm.s32 @!p0 $0x80;
	[tilespmem:$0x1970] =	vst @!p0 v0  }
0x7b: {  	[tilespmem:s29], [sflag:$0x1] =	stream.indirect.gather @!p0 [hbm4b:s4+s26], $0xD0, s28, s26, $0xb8;
	[tilespmem:$0x1B200] =	vst v63  }
0x7c: {  	p0 =	por p0, !p1  }
0x7d: {  	s24 =	smul.u32 $0x3E8000, s24;
	_ =	swait.ge @p0 [sflag:s21], $0x6400  }
0x7e: {  	s25 =	smul.u32 $0xC8000, s25;
	s23 =	sadd.s32 $0x1, s23;
	[sflag:s21] =	ssyncset.done @p0 $0x0  }
0x7f: {  	[sflag:s21] =	ssyncadd.s32 @p0 $0xFFFF9C00;
	p0 =	sne.s32 s23, $0x7D  }
.Ltmp0:
0x80: {  	s24 =	sadd.s32 s25, s24;
	(pc) =	sbr.rel @p0 .LBB2_2-.Ltmp0, $4  }
0x81: {  	s24 =	sor.u32 s6, s24  }
0x82: {  	s24 =	sshrl.u32 s24, $0x3  }
0x83: {  	s24 =	sadd.s32 s2, s24  }
0x84: {  	[hbm4b:s24+s15] =	stream.strided.scatter [tilespmem:s19], [sflag:$0x4], $0x6400, s16, s15, $0x38;
	[tilespmem:$0x1B200] =	vst v63  }
0x85: {  	s22 =	sadd.s32 $0x1, s22  }
0x86: {  	_ =	swait.ge [sflag:s20], $0x6400;
	p0 =	sne.s32 s22, s7  }
.Ltmp1:
0x87: {  	[sflag:s20] =	ssyncset.done $0x0;
	(pc) =	sbr.rel @p0 .LBB2_1-.Ltmp1, $4  }
0x88: {  	[sflag:s20] =	ssyncadd.s32 $0xFFFF9C00  }
0x89: {  	_ =	swait.ge [sflag:s21], $0x6400  }
0x8a: {  	[sflag:s21] =	ssyncset.done $0x0  }
0x8b: {  	[sflag:s21] =	ssyncadd.s32 $0xFFFF9C00  }
0x8c: {  	_ =	sfence.sel $0x180000  }
0x8d: {  	[bflag:$0x0] =	sbarrier.arrive $0xFFFF  }
0x8e: {  	p0 =	sne.s32 s0, $0x0;
	_ =	strace $0x90000047  }
0x8f: {  	s0 =	sadd.s32 @!p0 $0x100000, s1;
	[bflag:$0x2] =	sbarrier.arrive $0xFFFF  }
0x90: {  	[sflag:s0] =	ssyncadd.tile.s32 @!p0 $0x1;
	_ =	shalt  }
.Lfunc_end2:
_tile_overlayer_lowered:
.L_overlay_start_2:
0x91: {  	(tag) =	ssettag $0x2  }
0x92: {  	s0 =	rddreg [dreg:$0x0];
	s2 =	stileid.u32  }
0x93: {  	s1 =	rddreg [dreg:$0x1];
	p0 =	sne.s32 s2, $0x0  }
0x94: {  	s3 =	rddreg [dreg:$0x2];
	[bflag:$0x3] =	sbarrier.arrive $0xFFFF;
	s2 =	simm.s32 @!p0 $0x1C05  }
0x95: {  	[timem:s3], [sflag:s2] =	dma.local @!p0 [hbm:s0], s1  }
0x96: {  	s0 =	simm.s32 @!p0 $0x5  }
0x97: {  	_ =	swait.ge @!p0 [sflag:s0], s1  }
0x98: {  	s1 =	ssub.s32 @!p0 $0x0, s1;
	[sflag:s0] =	ssyncset.done @!p0 $0x0  }
0x99: {  	[sflag:s0] =	ssyncadd.s32 @!p0 s1  }
0x9a: {  	[bflag:$0x3] =	sbarrier.arrive $0xFFFF  }
0x9b: {  	_ =	shalt  }

</sc_bundles>
